<compile_context>
chip_gen: v7x
topology: tpu7x:2x2x1
jax: 0.10.2.dev20260603
libtpu: 0.0.44.dev20260713+nightly
codegen_flags: <defaults>
</compile_context>

<pallas_src>
import functools

import jax
import jax.numpy as jnp
from jax import lax
from jax.experimental import pallas as pl
from jax.experimental.pallas import tpu as pltpu
from jax.experimental.pallas import tpu_sc as plsc

N = 10000
E = 320000
D_IN = 128
D_OUT = 64
D2 = 2 * D_OUT

NC = 2
NS = 16
KA = 80
KC = 80
EPT_A = E // (NC * NS)
EPT_C = E // (NC * NS)
INIT_ROWS = 1000


def _mesh():
    return plsc.VectorSubcoreMesh(core_axis_name="c", subcore_axis_name="s")


@functools.partial(
    pl.kernel,
    out_type=jax.ShapeDtypeStruct((NC, N), jnp.float32),
    mesh=_mesh(),
    scratch_types=[
        pltpu.VMEM((KA,), jnp.int32),
        pltpu.VMEM((KA,), jnp.float32),
        pltpu.VMEM_SHARED((N,), jnp.float32),
    ],
)
def _sc_degree(dst_hbm, zeros_hbm, degp_hbm, idx_v, ones_v, deg_sh):
    c = lax.axis_index("c")
    s = lax.axis_index("s")

    @pl.when(s == 0)
    def _():
        pltpu.sync_copy(zeros_hbm, deg_sh)

    for i in range(KA // 16):
        ones_v[pl.ds(16 * i, 16)] = jnp.ones((16,), jnp.float32)
    plsc.subcore_barrier()

    tile_base = (c * NS + s) * EPT_A

    def body(i, _):
        base = tile_base + i * KA
        pltpu.sync_copy(dst_hbm.at[pl.ds(base, KA)], idx_v)
        pltpu.sync_copy(ones_v, deg_sh.at[idx_v], add=True)
        return 0

    lax.fori_loop(0, EPT_A // KA, body, 0)
    plsc.subcore_barrier()

    @pl.when(s == 0)
    def _():
        pltpu.sync_copy(deg_sh, degp_hbm.at[c])


@functools.partial(
    pl.kernel,
    out_type=(
        jax.ShapeDtypeStruct((N, D2), jnp.float32),
        jax.ShapeDtypeStruct((N, D2), jnp.float32),
    ),
    mesh=_mesh(),
    scratch_types=[
        pltpu.VMEM((KC,), jnp.int32),
        pltpu.VMEM((KC,), jnp.int32),
        pltpu.VMEM((KC, D2), jnp.float32),
        pltpu.VMEM_SHARED((N, D2), jnp.float32),
        pltpu.SemaphoreType.DMA,
    ],
)
def _sc_accumulate(src_hbm, dst_hbm, y_hbm, zeros_hbm, acc0_hbm, acc1_hbm,
                   sidx_v, didx_v, rows_v, acc_sh, sem):
    c = lax.axis_index("c")
    s = lax.axis_index("s")

    @pl.when(s < N // INIT_ROWS)
    def _():
        sl = pl.ds(s * INIT_ROWS, INIT_ROWS)

        @pl.when(c == 0)
        def _():
            pltpu.sync_copy(y_hbm.at[sl], acc_sh.at[sl])

        @pl.when(c == 1)
        def _():
            pltpu.sync_copy(zeros_hbm.at[sl], acc_sh.at[sl])

    plsc.subcore_barrier()
    tile_base = (c * NS + s) * EPT_C

    def body(i, _):
        base = tile_base + i * KC
        pltpu.sync_copy(src_hbm.at[pl.ds(base, KC)], sidx_v)
        pltpu.sync_copy(dst_hbm.at[pl.ds(base, KC)], didx_v)
        pltpu.async_copy(y_hbm.at[sidx_v], rows_v, sem).wait()
        pltpu.sync_copy(rows_v, acc_sh.at[didx_v], add=True)
        return 0

    lax.fori_loop(0, EPT_C // KC, body, 0)
    plsc.subcore_barrier()

    @pl.when(s < N // INIT_ROWS)
    def _():
        sl = pl.ds(s * INIT_ROWS, INIT_ROWS)

        @pl.when(c == 0)
        def _():
            pltpu.sync_copy(acc_sh.at[sl], acc0_hbm.at[sl])

        @pl.when(c == 1)
        def _():
            pltpu.sync_copy(acc_sh.at[sl], acc1_hbm.at[sl])


def _tc_prep_body(degp_ref, x_ref, w_ref, dinv_ref, y_ref):
    deg = degp_ref[0, :] + degp_ref[1, :] + 1.0
    dinv = lax.rsqrt(deg)
    dinv_ref[...] = dinv
    y_ref[...] = jnp.dot(x_ref[...], w_ref[...],
                         preferred_element_type=jnp.float32) * dinv[:, None]


def _tc_prep(degp, x, w_cat):
    return pl.pallas_call(
        _tc_prep_body,
        out_shape=(
            jax.ShapeDtypeStruct((N,), jnp.float32),
            jax.ShapeDtypeStruct((N, D2), jnp.float32),
        ),
    )(degp, x, w_cat)


def _tc_finish_body(acc0_ref, acc1_ref, dinv_ref, bmu_ref, bls_ref, mu_ref, ls_ref):
    scale = dinv_ref[...][:, None]
    acc = (acc0_ref[...] + acc1_ref[...]) * scale
    mu_ref[...] = acc[:, :D_OUT] + bmu_ref[...][None, :]
    ls_ref[...] = acc[:, D_OUT:] + bls_ref[...][None, :]


def _tc_finish(acc0, acc1, dinv, b_mu, b_ls):
    return pl.pallas_call(
        _tc_finish_body,
        out_shape=(
            jax.ShapeDtypeStruct((N, D_OUT), jnp.float32),
            jax.ShapeDtypeStruct((N, D_OUT), jnp.float32),
        ),
    )(acc0, acc1, dinv, b_mu, b_ls)


def kernel(x, edge_index, W_mu, b_mu, W_logstd, b_logstd):
    ei = edge_index.astype(jnp.int32)
    src = ei[0]
    dst = ei[1]
    zeros1 = jnp.zeros((N,), jnp.float32)
    zeros2 = jnp.zeros((N, D2), jnp.float32)
    w_cat = jnp.concatenate([W_mu, W_logstd], axis=1)
    degp = _sc_degree(dst, zeros1)
    dinv, y = _tc_prep(degp, x, w_cat)
    acc0, acc1 = _sc_accumulate(src, dst, y, zeros2)
    mu, logstd = _tc_finish(acc0, acc1, dinv, b_mu, b_logstd)
    return (mu, logstd)

# --- scband reference (transcript-rebuilt; emitter-appended) ---
"""Pipeline reference for scband-variational-linear-encoder-89335319757133 (READ-ONLY COPY).

The authoritative reference and input builder live on the scoring server;
editing this copy changes nothing except your own understanding.
"""

import jax, jax.numpy as jnp
import numpy as np

N = 10000
E = 320000
D_IN = 128
D_OUT = 64


def setup_inputs(seed: int = 0) -> dict:
    key = jax.random.key(seed)
    k1, k2, k3, k4, k5, k6 = jax.random.split(key, 6)
    x = jax.random.normal(k1, (N, D_IN), dtype=jnp.float32)
    edge_index = jax.random.randint(k2, (2, E), 0, N, dtype=jnp.int64)
    W_mu = jax.random.normal(k3, (D_IN, D_OUT), dtype=jnp.float32) * 0.05
    b_mu = jnp.zeros((D_OUT,), dtype=jnp.float32)
    W_logstd = jax.random.normal(k4, (D_IN, D_OUT), dtype=jnp.float32) * 0.05
    b_logstd = jnp.zeros((D_OUT,), dtype=jnp.float32)
    return {"x": x, "edge_index": edge_index, "W_mu": W_mu, "b_mu": b_mu, "W_logstd": W_logstd, "b_logstd": b_logstd}


def _gcn_conv(x, edge_index, W, b):
    n = x.shape[0]
    src = edge_index[0]
    dst = edge_index[1]
    # add self-loops (PyG GCNConv default)
    loop = jnp.arange(n, dtype=edge_index.dtype)
    src = jnp.concatenate([src, loop])
    dst = jnp.concatenate([dst, loop])
    ones = jnp.ones(src.shape[0], dtype=x.dtype)
    deg = jax.ops.segment_sum(ones, dst, num_segments=n)
    deg_inv_sqrt = jnp.where(deg > 0, jax.lax.rsqrt(jnp.maximum(deg, 1e-12)), 0.0)
    norm = deg_inv_sqrt[src] * deg_inv_sqrt[dst]
    xw = x @ W
    msg = jnp.take(xw, src, axis=0) * norm[:, None]
    out = jax.ops.segment_sum(msg, dst, num_segments=n) + b
    return out


def reference(x, edge_index, W_mu, b_mu, W_logstd, b_logstd):
    mu = _gcn_conv(x, edge_index, W_mu, b_mu)
    logstd = _gcn_conv(x, edge_index, W_logstd, b_logstd)
    return (mu, logstd)

if __name__ == "__main__":
    import jax
    _d = setup_inputs()
    print(jax.jit(kernel)(*tuple(_d.values())))

</pallas_src>

<mosaic_0001>
#map = affine_map<(d0, d1) -> (0)>
#map1 = affine_map<(d0, d1) -> (0, 0)>
module attributes {stable_mosaic.version = 14 : i64} {
  func.func @_sc_accumulate(%arg0: i32, %arg1: i32, %arg2: memref<320000xi32, #tpu.memory_space<hbm>>, %arg3: memref<320000xi32, #tpu.memory_space<hbm>>, %arg4: memref<10000x128xf32, #tpu.memory_space<hbm>>, %arg5: memref<10000x128xf32, #tpu.memory_space<hbm>>, %arg6: memref<10000x128xf32, #tpu.memory_space<hbm>>, %arg7: memref<10000x128xf32, #tpu.memory_space<hbm>>, %arg8: memref<80xi32, #tpu.memory_space<vmem>>, %arg9: memref<80xi32, #tpu.memory_space<vmem>>, %arg10: memref<80x128xf32, #tpu.memory_space<vmem>>, %arg11: memref<10000x128xf32, #tpu.memory_space<vmem_shared>>, %arg12: memref<!tpu.dma_semaphore, #tpu.memory_space<semaphore_mem>>) attributes {dimension_semantics = [#tpu.dimension_semantics<core_parallel>, #tpu.dimension_semantics<subcore_parallel>], iteration_bounds = array<i64: 2, 16>, scalar_prefetch = 0 : i64, scratch_operands = 5 : i64, tpu.core_type = #tpu.core_type<sc_vector_subcore>, window_params = [{transform_indices = #map}, {transform_indices = #map}, {transform_indices = #map1}, {transform_indices = #map1}, {transform_indices = #map1}, {transform_indices = #map1}]} {
    %lt3A = arith.constant 10 : i32
    %lt3A_0 = arith.cmpi slt, %arg1, %lt3A : i32
    %convert_element_type3A = arith.extui %lt3A_0 : i1 to i32
    %cond3A = arith.constant 0 : i32
    %cond3A_1 = arith.cmpi ne, %convert_element_type3A, %cond3A : i32
    scf.if %cond3A_1 {
      %mul3A_17 = arith.constant 1000 : i32
      %mul3A_18 = arith.muli %arg1, %mul3A_17 : i32
      %eq3A = arith.constant 0 : i32
      %eq3A_19 = arith.cmpi eq, %arg0, %eq3A : i32
      %convert_element_type3A_20 = arith.extui %eq3A_19 : i1 to i32
      %cond3A_21 = arith.constant 0 : i32
      %cond3A_22 = arith.cmpi ne, %convert_element_type3A_20, %cond3A_21 : i32
      scf.if %cond3A_22 {
        "tpu.region"() ({
          %run_scoped3A = tpu.sem_alloc : memref<!tpu.dma_semaphore, #tpu.memory_space<semaphore_mem>>
          %dma_start3A = arith.constant 0 : i32
          %dma_start3A_28 = tpu.memref_slice %arg11[%mul3A_18, %dma_start3A] : memref<10000x128xf32, #tpu.memory_space<vmem_shared>> -> memref<1000x128xf32, #tpu.memory_space<vmem_shared>>
          %dma_start3A_29 = arith.constant 0 : i32
          %dma_start3A_30 = tpu.memref_slice %arg4[%mul3A_18, %dma_start3A_29] : memref<10000x128xf32, #tpu.memory_space<hbm>> -> memref<1000x128xf32, #tpu.memory_space<hbm>>
          tpu.enqueue_dma source(%dma_start3A_30 : memref<1000x128xf32, #tpu.memory_space<hbm>>) target(%dma_start3A_28 : memref<1000x128xf32, #tpu.memory_space<vmem_shared>>) target_semaphore(%run_scoped3A : memref<!tpu.dma_semaphore, #tpu.memory_space<semaphore_mem>>)
          %dma_wait3A = arith.constant 0 : i32
          %dma_wait3A_31 = tpu.memref_slice %arg11[%mul3A_18, %dma_wait3A] : memref<10000x128xf32, #tpu.memory_space<vmem_shared>> -> memref<1000x128xf32, #tpu.memory_space<vmem_shared>>
          %dma_wait3A_32 = arith.constant 0 : i32
          %dma_wait3A_33 = tpu.memref_slice %arg4[%mul3A_18, %dma_wait3A_32] : memref<10000x128xf32, #tpu.memory_space<hbm>> -> memref<1000x128xf32, #tpu.memory_space<hbm>>
          tpu.wait_dma2 semaphore(%run_scoped3A : memref<!tpu.dma_semaphore, #tpu.memory_space<semaphore_mem>>) src(%dma_wait3A_33 : memref<1000x128xf32, #tpu.memory_space<hbm>>) dst(%dma_wait3A_31 : memref<1000x128xf32, #tpu.memory_space<vmem_shared>>)
          tpu.yield
        }) : () -> ()
      } else {
      }
      %eq3A_23 = arith.constant 1 : i32
      %eq3A_24 = arith.cmpi eq, %arg0, %eq3A_23 : i32
      %convert_element_type3A_25 = arith.extui %eq3A_24 : i1 to i32
      %cond3A_26 = arith.constant 0 : i32
      %cond3A_27 = arith.cmpi ne, %convert_element_type3A_25, %cond3A_26 : i32
      scf.if %cond3A_27 {
        "tpu.region"() ({
          %run_scoped3A = tpu.sem_alloc : memref<!tpu.dma_semaphore, #tpu.memory_space<semaphore_mem>>
          %dma_start3A = arith.constant 0 : i32
          %dma_start3A_28 = tpu.memref_slice %arg11[%mul3A_18, %dma_start3A] : memref<10000x128xf32, #tpu.memory_space<vmem_shared>> -> memref<1000x128xf32, #tpu.memory_space<vmem_shared>>
          %dma_start3A_29 = arith.constant 0 : i32
          %dma_start3A_30 = tpu.memref_slice %arg5[%mul3A_18, %dma_start3A_29] : memref<10000x128xf32, #tpu.memory_space<hbm>> -> memref<1000x128xf32, #tpu.memory_space<hbm>>
          tpu.enqueue_dma source(%dma_start3A_30 : memref<1000x128xf32, #tpu.memory_space<hbm>>) target(%dma_start3A_28 : memref<1000x128xf32, #tpu.memory_space<vmem_shared>>) target_semaphore(%run_scoped3A : memref<!tpu.dma_semaphore, #tpu.memory_space<semaphore_mem>>)
          %dma_wait3A = arith.constant 0 : i32
          %dma_wait3A_31 = tpu.memref_slice %arg11[%mul3A_18, %dma_wait3A] : memref<10000x128xf32, #tpu.memory_space<vmem_shared>> -> memref<1000x128xf32, #tpu.memory_space<vmem_shared>>
          %dma_wait3A_32 = arith.constant 0 : i32
          %dma_wait3A_33 = tpu.memref_slice %arg5[%mul3A_18, %dma_wait3A_32] : memref<10000x128xf32, #tpu.memory_space<hbm>> -> memref<1000x128xf32, #tpu.memory_space<hbm>>
          tpu.wait_dma2 semaphore(%run_scoped3A : memref<!tpu.dma_semaphore, #tpu.memory_space<semaphore_mem>>) src(%dma_wait3A_33 : memref<1000x128xf32, #tpu.memory_space<hbm>>) dst(%dma_wait3A_31 : memref<1000x128xf32, #tpu.memory_space<vmem_shared>>)
          tpu.yield
        }) : () -> ()
      } else {
      }
    } else {
    }
    %barrier3A = arith.constant 0 : index
    tpu.barrier barrier_id(%barrier3A)
    %mul3A = arith.constant 16 : i32
    %mul3A_2 = arith.muli %arg0, %mul3A : i32
    %add3A = arith.addi %mul3A_2, %arg1 : i32
    %mul3A_3 = arith.constant 10000 : i32
    %mul3A_4 = arith.muli %add3A, %mul3A_3 : i32
    %scan3A = arith.constant 0 : i32
    %scan3A_5 = arith.constant 0 : i32
    %scan3A_6 = arith.constant 125 : i32
    %scan3A_7 = arith.addi %scan3A_5, %scan3A_6 : i32
    %scan3A_8 = arith.constant 1 : i32
    %scan3A_9 = scf.for %scan3A_17 = %scan3A_5 to %scan3A_7 step %scan3A_8 iter_args(%scan3A_18 = %scan3A) -> (i32)  : i32 {
      %mul3A_19 = arith.constant 80 : i32
      %mul3A_20 = arith.muli %scan3A_17, %mul3A_19 : i32
      %add3A_21 = arith.addi %mul3A_4, %mul3A_20 : i32
      "tpu.region"() ({
        %run_scoped3A = tpu.sem_alloc : memref<!tpu.dma_semaphore, #tpu.memory_space<semaphore_mem>>
        %dma_start3A_27 = tpu.memref_slice %arg2[%add3A_21] : memref<320000xi32, #tpu.memory_space<hbm>> -> memref<80xi32, #tpu.memory_space<hbm>>
        %dma_start3A_28 = tpu.memref_slice %arg2[%add3A_21] : memref<320000xi32, #tpu.memory_space<hbm>> -> memref<80xi32, #tpu.memory_space<hbm>>
        tpu.enqueue_dma source(%dma_start3A_28 : memref<80xi32, #tpu.memory_space<hbm>>) target(%arg8 : memref<80xi32, #tpu.memory_space<vmem>>) target_semaphore(%run_scoped3A : memref<!tpu.dma_semaphore, #tpu.memory_space<semaphore_mem>>)
        %dma_wait3A_29 = tpu.memref_slice %arg2[%add3A_21] : memref<320000xi32, #tpu.memory_space<hbm>> -> memref<80xi32, #tpu.memory_space<hbm>>
        %dma_wait3A_30 = tpu.memref_slice %arg2[%add3A_21] : memref<320000xi32, #tpu.memory_space<hbm>> -> memref<80xi32, #tpu.memory_space<hbm>>
        tpu.wait_dma2 semaphore(%run_scoped3A : memref<!tpu.dma_semaphore, #tpu.memory_space<semaphore_mem>>) src(%dma_wait3A_30 : memref<80xi32, #tpu.memory_space<hbm>>) dst(%arg8 : memref<80xi32, #tpu.memory_space<vmem>>)
        tpu.yield
      }) : () -> ()
      "tpu.region"() ({
        %run_scoped3A = tpu.sem_alloc : memref<!tpu.dma_semaphore, #tpu.memory_space<semaphore_mem>>
        %dma_start3A_27 = tpu.memref_slice %arg3[%add3A_21] : memref<320000xi32, #tpu.memory_space<hbm>> -> memref<80xi32, #tpu.memory_space<hbm>>
        %dma_start3A_28 = tpu.memref_slice %arg3[%add3A_21] : memref<320000xi32, #tpu.memory_space<hbm>> -> memref<80xi32, #tpu.memory_space<hbm>>
        tpu.enqueue_dma source(%dma_start3A_28 : memref<80xi32, #tpu.memory_space<hbm>>) target(%arg9 : memref<80xi32, #tpu.memory_space<vmem>>) target_semaphore(%run_scoped3A : memref<!tpu.dma_semaphore, #tpu.memory_space<semaphore_mem>>)
        %dma_wait3A_29 = tpu.memref_slice %arg3[%add3A_21] : memref<320000xi32, #tpu.memory_space<hbm>> -> memref<80xi32, #tpu.memory_space<hbm>>
        %dma_wait3A_30 = tpu.memref_slice %arg3[%add3A_21] : memref<320000xi32, #tpu.memory_space<hbm>> -> memref<80xi32, #tpu.memory_space<hbm>>
        tpu.wait_dma2 semaphore(%run_scoped3A : memref<!tpu.dma_semaphore, #tpu.memory_space<semaphore_mem>>) src(%dma_wait3A_30 : memref<80xi32, #tpu.memory_space<hbm>>) dst(%arg9 : memref<80xi32, #tpu.memory_space<vmem>>)
        tpu.yield
      }) : () -> ()
      %dma_start3A = arith.constant 0 : i32
      %dma_start3A_22 = arith.constant 0 : i32
      %dma_start3A_23 = tpu.memref_slice %arg4[%dma_start3A, %dma_start3A_22] : memref<10000x128xf32, #tpu.memory_space<hbm>> -> memref<10000x128xf32, #tpu.memory_space<hbm>>
      tpu.enqueue_indirect_dma source(%dma_start3A_23 : memref<10000x128xf32, #tpu.memory_space<hbm>>) target(%arg10 : memref<80x128xf32, #tpu.memory_space<vmem>>) offsets(%arg8 : memref<80xi32, #tpu.memory_space<vmem>>) semaphore(%arg12 : memref<!tpu.dma_semaphore, #tpu.memory_space<semaphore_mem>>)
      %dma_wait3A = arith.constant 0 : i32
      %dma_wait3A_24 = arith.constant 0 : i32
      %dma_wait3A_25 = tpu.memref_slice %arg4[%dma_wait3A, %dma_wait3A_24] : memref<10000x128xf32, #tpu.memory_space<hbm>> -> memref<10000x128xf32, #tpu.memory_space<hbm>>
      tpu.wait_indirect_dma semaphore(%arg12 : memref<!tpu.dma_semaphore, #tpu.memory_space<semaphore_mem>>) src(%dma_wait3A_25 : memref<10000x128xf32, #tpu.memory_space<hbm>>) dst(%arg10 : memref<80x128xf32, #tpu.memory_space<vmem>>)
      "tpu.region"() ({
        %run_scoped3A = tpu.sem_alloc : memref<!tpu.dma_semaphore, #tpu.memory_space<semaphore_mem>>
        %dma_start3A_27 = arith.constant 0 : i32
        %dma_start3A_28 = arith.constant 0 : i32
        %dma_start3A_29 = tpu.memref_slice %arg11[%dma_start3A_27, %dma_start3A_28] : memref<10000x128xf32, #tpu.memory_space<vmem_shared>> -> memref<10000x128xf32, #tpu.memory_space<vmem_shared>>
        tpu.enqueue_indirect_dma source(%arg10 : memref<80x128xf32, #tpu.memory_space<vmem>>) target(%dma_start3A_29 : memref<10000x128xf32, #tpu.memory_space<vmem_shared>>) offsets(%arg9 : memref<80xi32, #tpu.memory_space<vmem>>) semaphore(%run_scoped3A : memref<!tpu.dma_semaphore, #tpu.memory_space<semaphore_mem>>) {add = true}
        %dma_wait3A_30 = arith.constant 0 : i32
        %dma_wait3A_31 = arith.constant 0 : i32
        %dma_wait3A_32 = tpu.memref_slice %arg11[%dma_wait3A_30, %dma_wait3A_31] : memref<10000x128xf32, #tpu.memory_space<vmem_shared>> -> memref<10000x128xf32, #tpu.memory_space<vmem_shared>>
        tpu.wait_indirect_dma semaphore(%run_scoped3A : memref<!tpu.dma_semaphore, #tpu.memory_space<semaphore_mem>>) src(%arg10 : memref<80x128xf32, #tpu.memory_space<vmem>>) dst(%dma_wait3A_32 : memref<10000x128xf32, #tpu.memory_space<vmem_shared>>)
        tpu.yield
      }) : () -> ()
      %scan3A_26 = arith.constant 0 : i32
      scf.yield %scan3A_26 : i32
    }
    %scan3A_10 = arith.constant 125 : i32
    %barrier3A_11 = arith.constant 0 : index
    tpu.barrier barrier_id(%barrier3A_11)
    %lt3A_12 = arith.constant 10 : i32
    %lt3A_13 = arith.cmpi slt, %arg1, %lt3A_12 : i32
    %convert_element_type3A_14 = arith.extui %lt3A_13 : i1 to i32
    %cond3A_15 = arith.constant 0 : i32
    %cond3A_16 = arith.cmpi ne, %convert_element_type3A_14, %cond3A_15 : i32
    scf.if %cond3A_16 {
      %mul3A_17 = arith.constant 1000 : i32
      %mul3A_18 = arith.muli %arg1, %mul3A_17 : i32
      %eq3A = arith.constant 0 : i32
      %eq3A_19 = arith.cmpi eq, %arg0, %eq3A : i32
      %convert_element_type3A_20 = arith.extui %eq3A_19 : i1 to i32
      %cond3A_21 = arith.constant 0 : i32
      %cond3A_22 = arith.cmpi ne, %convert_element_type3A_20, %cond3A_21 : i32
      scf.if %cond3A_22 {
        "tpu.region"() ({
          %run_scoped3A = tpu.sem_alloc : memref<!tpu.dma_semaphore, #tpu.memory_space<semaphore_mem>>
          %dma_start3A = arith.constant 0 : i32
          %dma_start3A_28 = tpu.memref_slice %arg6[%mul3A_18, %dma_start3A] : memref<10000x128xf32, #tpu.memory_space<hbm>> -> memref<1000x128xf32, #tpu.memory_space<hbm>>
          %dma_start3A_29 = arith.constant 0 : i32
          %dma_start3A_30 = tpu.memref_slice %arg11[%mul3A_18, %dma_start3A_29] : memref<10000x128xf32, #tpu.memory_space<vmem_shared>> -> memref<1000x128xf32, #tpu.memory_space<vmem_shared>>
          tpu.enqueue_dma source(%dma_start3A_30 : memref<1000x128xf32, #tpu.memory_space<vmem_shared>>) target(%dma_start3A_28 : memref<1000x128xf32, #tpu.memory_space<hbm>>) target_semaphore(%run_scoped3A : memref<!tpu.dma_semaphore, #tpu.memory_space<semaphore_mem>>)
          %dma_wait3A = arith.constant 0 : i32
          %dma_wait3A_31 = tpu.memref_slice %arg6[%mul3A_18, %dma_wait3A] : memref<10000x128xf32, #tpu.memory_space<hbm>> -> memref<1000x128xf32, #tpu.memory_space<hbm>>
          %dma_wait3A_32 = arith.constant 0 : i32
          %dma_wait3A_33 = tpu.memref_slice %arg11[%mul3A_18, %dma_wait3A_32] : memref<10000x128xf32, #tpu.memory_space<vmem_shared>> -> memref<1000x128xf32, #tpu.memory_space<vmem_shared>>
          tpu.wait_dma2 semaphore(%run_scoped3A : memref<!tpu.dma_semaphore, #tpu.memory_space<semaphore_mem>>) src(%dma_wait3A_33 : memref<1000x128xf32, #tpu.memory_space<vmem_shared>>) dst(%dma_wait3A_31 : memref<1000x128xf32, #tpu.memory_space<hbm>>)
          tpu.yield
        }) : () -> ()
      } else {
      }
      %eq3A_23 = arith.constant 1 : i32
      %eq3A_24 = arith.cmpi eq, %arg0, %eq3A_23 : i32
      %convert_element_type3A_25 = arith.extui %eq3A_24 : i1 to i32
      %cond3A_26 = arith.constant 0 : i32
      %cond3A_27 = arith.cmpi ne, %convert_element_type3A_25, %cond3A_26 : i32
      scf.if %cond3A_27 {
        "tpu.region"() ({
          %run_scoped3A = tpu.sem_alloc : memref<!tpu.dma_semaphore, #tpu.memory_space<semaphore_mem>>
          %dma_start3A = arith.constant 0 : i32
          %dma_start3A_28 = tpu.memref_slice %arg7[%mul3A_18, %dma_start3A] : memref<10000x128xf32, #tpu.memory_space<hbm>> -> memref<1000x128xf32, #tpu.memory_space<hbm>>
          %dma_start3A_29 = arith.constant 0 : i32
          %dma_start3A_30 = tpu.memref_slice %arg11[%mul3A_18, %dma_start3A_29] : memref<10000x128xf32, #tpu.memory_space<vmem_shared>> -> memref<1000x128xf32, #tpu.memory_space<vmem_shared>>
          tpu.enqueue_dma source(%dma_start3A_30 : memref<1000x128xf32, #tpu.memory_space<vmem_shared>>) target(%dma_start3A_28 : memref<1000x128xf32, #tpu.memory_space<hbm>>) target_semaphore(%run_scoped3A : memref<!tpu.dma_semaphore, #tpu.memory_space<semaphore_mem>>)
          %dma_wait3A = arith.constant 0 : i32
          %dma_wait3A_31 = tpu.memref_slice %arg7[%mul3A_18, %dma_wait3A] : memref<10000x128xf32, #tpu.memory_space<hbm>> -> memref<1000x128xf32, #tpu.memory_space<hbm>>
          %dma_wait3A_32 = arith.constant 0 : i32
          %dma_wait3A_33 = tpu.memref_slice %arg11[%mul3A_18, %dma_wait3A_32] : memref<10000x128xf32, #tpu.memory_space<vmem_shared>> -> memref<1000x128xf32, #tpu.memory_space<vmem_shared>>
          tpu.wait_dma2 semaphore(%run_scoped3A : memref<!tpu.dma_semaphore, #tpu.memory_space<semaphore_mem>>) src(%dma_wait3A_33 : memref<1000x128xf32, #tpu.memory_space<vmem_shared>>) dst(%dma_wait3A_31 : memref<1000x128xf32, #tpu.memory_space<hbm>>)
          tpu.yield
        }) : () -> ()
      } else {
      }
    } else {
    }
    return
  }
}

#map = affine_map<(d0, d1) -> (0)>
#map1 = affine_map<(d0, d1) -> (0, 0)>
module attributes {stable_mosaic.version = 14 : i64} {
  func.func @_sc_degree(%arg0: i32, %arg1: i32, %arg2: memref<320000xi32, #tpu.memory_space<hbm>>, %arg3: memref<10000xf32, #tpu.memory_space<hbm>>, %arg4: memref<2x10000xf32, #tpu.memory_space<hbm>>, %arg5: memref<80xi32, #tpu.memory_space<vmem>>, %arg6: memref<80xf32, #tpu.memory_space<vmem>>, %arg7: memref<10000xf32, #tpu.memory_space<vmem_shared>>) attributes {dimension_semantics = [#tpu.dimension_semantics<core_parallel>, #tpu.dimension_semantics<subcore_parallel>], iteration_bounds = array<i64: 2, 16>, scalar_prefetch = 0 : i64, scratch_operands = 3 : i64, tpu.core_type = #tpu.core_type<sc_vector_subcore>, window_params = [{transform_indices = #map}, {transform_indices = #map}, {transform_indices = #map1}]} {
    %eq3A = arith.constant 0 : i32
    %eq3A_0 = arith.cmpi eq, %arg1, %eq3A : i32
    %convert_element_type3A = arith.extui %eq3A_0 : i1 to i32
    %cond3A = arith.constant 0 : i32
    %cond3A_1 = arith.cmpi ne, %convert_element_type3A, %cond3A : i32
    scf.if %cond3A_1 {
      "tpu.region"() ({
        %run_scoped3A = tpu.sem_alloc : memref<!tpu.dma_semaphore, #tpu.memory_space<semaphore_mem>>
        tpu.enqueue_dma source(%arg3 : memref<10000xf32, #tpu.memory_space<hbm>>) target(%arg7 : memref<10000xf32, #tpu.memory_space<vmem_shared>>) target_semaphore(%run_scoped3A : memref<!tpu.dma_semaphore, #tpu.memory_space<semaphore_mem>>)
        tpu.wait_dma2 semaphore(%run_scoped3A : memref<!tpu.dma_semaphore, #tpu.memory_space<semaphore_mem>>) src(%arg3 : memref<10000xf32, #tpu.memory_space<hbm>>) dst(%arg7 : memref<10000xf32, #tpu.memory_space<vmem_shared>>)
        tpu.yield
      }) : () -> ()
    } else {
    }
    %broadcast_in_dim3A = arith.constant 1.000000e+00 : f32
    %broadcast_in_dim3A_2 = vector.broadcast %broadcast_in_dim3A : f32 to vector<16xf32>
    %swap3A = arith.constant 0 : index
    %swap3A_3 = tpu.vector_load %arg6[%swap3A] {strides = array<i32>} : memref<80xf32, #tpu.memory_space<vmem>>, vector<16xf32>,
    %swap3A_4 = vector.shape_cast %swap3A_3 : vector<16xf32> to vector<16xf32>
    %swap3A_5 = vector.shape_cast %broadcast_in_dim3A_2 : vector<16xf32> to vector<16xf32>
    tpu.vector_store %arg6[%swap3A], %swap3A_5 {strides = array<i32>} : memref<80xf32, #tpu.memory_space<vmem>>, vector<16xf32>,
    %broadcast_in_dim3A_6 = arith.constant 1.000000e+00 : f32
    %broadcast_in_dim3A_7 = vector.broadcast %broadcast_in_dim3A_6 : f32 to vector<16xf32>
    %swap3A_8 = arith.constant 16 : index
    %swap3A_9 = tpu.vector_load %arg6[%swap3A_8] {strides = array<i32>} : memref<80xf32, #tpu.memory_space<vmem>>, vector<16xf32>,
    %swap3A_10 = vector.shape_cast %swap3A_9 : vector<16xf32> to vector<16xf32>
    %swap3A_11 = vector.shape_cast %broadcast_in_dim3A_7 : vector<16xf32> to vector<16xf32>
    tpu.vector_store %arg6[%swap3A_8], %swap3A_11 {strides = array<i32>} : memref<80xf32, #tpu.memory_space<vmem>>, vector<16xf32>,
    %broadcast_in_dim3A_12 = arith.constant 1.000000e+00 : f32
    %broadcast_in_dim3A_13 = vector.broadcast %broadcast_in_dim3A_12 : f32 to vector<16xf32>
    %swap3A_14 = arith.constant 32 : index
    %swap3A_15 = tpu.vector_load %arg6[%swap3A_14] {strides = array<i32>} : memref<80xf32, #tpu.memory_space<vmem>>, vector<16xf32>,
    %swap3A_16 = vector.shape_cast %swap3A_15 : vector<16xf32> to vector<16xf32>
    %swap3A_17 = vector.shape_cast %broadcast_in_dim3A_13 : vector<16xf32> to vector<16xf32>
    tpu.vector_store %arg6[%swap3A_14], %swap3A_17 {strides = array<i32>} : memref<80xf32, #tpu.memory_space<vmem>>, vector<16xf32>,
    %broadcast_in_dim3A_18 = arith.constant 1.000000e+00 : f32
    %broadcast_in_dim3A_19 = vector.broadcast %broadcast_in_dim3A_18 : f32 to vector<16xf32>
    %swap3A_20 = arith.constant 48 : index
    %swap3A_21 = tpu.vector_load %arg6[%swap3A_20] {strides = array<i32>} : memref<80xf32, #tpu.memory_space<vmem>>, vector<16xf32>,
    %swap3A_22 = vector.shape_cast %swap3A_21 : vector<16xf32> to vector<16xf32>
    %swap3A_23 = vector.shape_cast %broadcast_in_dim3A_19 : vector<16xf32> to vector<16xf32>
    tpu.vector_store %arg6[%swap3A_20], %swap3A_23 {strides = array<i32>} : memref<80xf32, #tpu.memory_space<vmem>>, vector<16xf32>,
    %broadcast_in_dim3A_24 = arith.constant 1.000000e+00 : f32
    %broadcast_in_dim3A_25 = vector.broadcast %broadcast_in_dim3A_24 : f32 to vector<16xf32>
    %swap3A_26 = arith.constant 64 : index
    %swap3A_27 = tpu.vector_load %arg6[%swap3A_26] {strides = array<i32>} : memref<80xf32, #tpu.memory_space<vmem>>, vector<16xf32>,
    %swap3A_28 = vector.shape_cast %swap3A_27 : vector<16xf32> to vector<16xf32>
    %swap3A_29 = vector.shape_cast %broadcast_in_dim3A_25 : vector<16xf32> to vector<16xf32>
    tpu.vector_store %arg6[%swap3A_26], %swap3A_29 {strides = array<i32>} : memref<80xf32, #tpu.memory_space<vmem>>, vector<16xf32>,
    %barrier3A = arith.constant 0 : index
    tpu.barrier barrier_id(%barrier3A)
    %mul3A = arith.constant 16 : i32
    %mul3A_30 = arith.muli %arg0, %mul3A : i32
    %add3A = arith.addi %mul3A_30, %arg1 : i32
    %mul3A_31 = arith.constant 10000 : i32
    %mul3A_32 = arith.muli %add3A, %mul3A_31 : i32
    %scan3A = arith.constant 0 : i32
    %scan3A_33 = arith.constant 0 : i32
    %scan3A_34 = arith.constant 125 : i32
    %scan3A_35 = arith.addi %scan3A_33, %scan3A_34 : i32
    %scan3A_36 = arith.constant 1 : i32
    %scan3A_37 = scf.for %scan3A_45 = %scan3A_33 to %scan3A_35 step %scan3A_36 iter_args(%scan3A_46 = %scan3A) -> (i32)  : i32 {
      %mul3A_47 = arith.constant 80 : i32
      %mul3A_48 = arith.muli %scan3A_45, %mul3A_47 : i32
      %add3A_49 = arith.addi %mul3A_32, %mul3A_48 : i32
      "tpu.region"() ({
        %run_scoped3A = tpu.sem_alloc : memref<!tpu.dma_semaphore, #tpu.memory_space<semaphore_mem>>
        %dma_start3A = tpu.memref_slice %arg2[%add3A_49] : memref<320000xi32, #tpu.memory_space<hbm>> -> memref<80xi32, #tpu.memory_space<hbm>>
        %dma_start3A_51 = tpu.memref_slice %arg2[%add3A_49] : memref<320000xi32, #tpu.memory_space<hbm>> -> memref<80xi32, #tpu.memory_space<hbm>>
        tpu.enqueue_dma source(%dma_start3A_51 : memref<80xi32, #tpu.memory_space<hbm>>) target(%arg5 : memref<80xi32, #tpu.memory_space<vmem>>) target_semaphore(%run_scoped3A : memref<!tpu.dma_semaphore, #tpu.memory_space<semaphore_mem>>)
        %dma_wait3A = tpu.memref_slice %arg2[%add3A_49] : memref<320000xi32, #tpu.memory_space<hbm>> -> memref<80xi32, #tpu.memory_space<hbm>>
        %dma_wait3A_52 = tpu.memref_slice %arg2[%add3A_49] : memref<320000xi32, #tpu.memory_space<hbm>> -> memref<80xi32, #tpu.memory_space<hbm>>
        tpu.wait_dma2 semaphore(%run_scoped3A : memref<!tpu.dma_semaphore, #tpu.memory_space<semaphore_mem>>) src(%dma_wait3A_52 : memref<80xi32, #tpu.memory_space<hbm>>) dst(%arg5 : memref<80xi32, #tpu.memory_space<vmem>>)
        tpu.yield
      }) : () -> ()
      "tpu.region"() ({
        %run_scoped3A = tpu.sem_alloc : memref<!tpu.dma_semaphore, #tpu.memory_space<semaphore_mem>>
        %dma_start3A = arith.constant 0 : i32
        %dma_start3A_51 = tpu.memref_slice %arg7[%dma_start3A] : memref<10000xf32, #tpu.memory_space<vmem_shared>> -> memref<10000xf32, #tpu.memory_space<vmem_shared>>
        tpu.enqueue_indirect_dma source(%arg6 : memref<80xf32, #tpu.memory_space<vmem>>) target(%dma_start3A_51 : memref<10000xf32, #tpu.memory_space<vmem_shared>>) offsets(%arg5 : memref<80xi32, #tpu.memory_space<vmem>>) semaphore(%run_scoped3A : memref<!tpu.dma_semaphore, #tpu.memory_space<semaphore_mem>>) {add = true}
        %dma_wait3A = arith.constant 0 : i32
        %dma_wait3A_52 = tpu.memref_slice %arg7[%dma_wait3A] : memref<10000xf32, #tpu.memory_space<vmem_shared>> -> memref<10000xf32, #tpu.memory_space<vmem_shared>>
        tpu.wait_indirect_dma semaphore(%run_scoped3A : memref<!tpu.dma_semaphore, #tpu.memory_space<semaphore_mem>>) src(%arg6 : memref<80xf32, #tpu.memory_space<vmem>>) dst(%dma_wait3A_52 : memref<10000xf32, #tpu.memory_space<vmem_shared>>)
        tpu.yield
      }) : () -> ()
      %scan3A_50 = arith.constant 0 : i32
      scf.yield %scan3A_50 : i32
    }
    %scan3A_38 = arith.constant 125 : i32
    %barrier3A_39 = arith.constant 0 : index
    tpu.barrier barrier_id(%barrier3A_39)
    %eq3A_40 = arith.constant 0 : i32
    %eq3A_41 = arith.cmpi eq, %arg1, %eq3A_40 : i32
    %convert_element_type3A_42 = arith.extui %eq3A_41 : i1 to i32
    %cond3A_43 = arith.constant 0 : i32
    %cond3A_44 = arith.cmpi ne, %convert_element_type3A_42, %cond3A_43 : i32
    scf.if %cond3A_44 {
      "tpu.region"() ({
        %run_scoped3A = tpu.sem_alloc : memref<!tpu.dma_semaphore, #tpu.memory_space<semaphore_mem>>
        %dma_start3A = arith.constant 0 : i32
        %dma_start3A_45 = tpu.memref_slice %arg4[%arg0, %dma_start3A] : memref<2x10000xf32, #tpu.memory_space<hbm>> -> memref<1x10000xf32, #tpu.memory_space<hbm>>
        %dma_start3A_46 = tpu.memref_squeeze %dma_start3A_45 : memref<1x10000xf32, #tpu.memory_space<hbm>> -> memref<10000xf32, #tpu.memory_space<hbm>>
        tpu.enqueue_dma source(%arg7 : memref<10000xf32, #tpu.memory_space<vmem_shared>>) target(%dma_start3A_46 : memref<10000xf32, #tpu.memory_space<hbm>>) target_semaphore(%run_scoped3A : memref<!tpu.dma_semaphore, #tpu.memory_space<semaphore_mem>>)
        %dma_wait3A = arith.constant 0 : i32
        %dma_wait3A_47 = tpu.memref_slice %arg4[%arg0, %dma_wait3A] : memref<2x10000xf32, #tpu.memory_space<hbm>> -> memref<1x10000xf32, #tpu.memory_space<hbm>>
        %dma_wait3A_48 = tpu.memref_squeeze %dma_wait3A_47 : memref<1x10000xf32, #tpu.memory_space<hbm>> -> memref<10000xf32, #tpu.memory_space<hbm>>
        tpu.wait_dma2 semaphore(%run_scoped3A : memref<!tpu.dma_semaphore, #tpu.memory_space<semaphore_mem>>) src(%arg7 : memref<10000xf32, #tpu.memory_space<vmem_shared>>) dst(%dma_wait3A_48 : memref<10000xf32, #tpu.memory_space<hbm>>)
        tpu.yield
      }) : () -> ()
    } else {
    }
    return
  }
}

module attributes {stable_mosaic.version = 14 : i64} {
  func.func @_tc_prep_body(%arg0: memref<2x10000xf32, #tpu.memory_space<vmem>>, %arg1: memref<10000x128xf32, #tpu.memory_space<vmem>>, %arg2: memref<128x128xf32, #tpu.memory_space<vmem>>, %arg3: memref<10000xf32, #tpu.memory_space<vmem>>, %arg4: memref<10000x128xf32, #tpu.memory_space<vmem>>) attributes {dimension_semantics = [], scalar_prefetch = 0 : i64, scratch_operands = 0 : i64, tpu.core_type = #tpu.core_type<tc>} {
    %get3A = arith.constant 0 : index
    %get3A_0 = arith.constant 0 : index
    %get3A_1 = vector.load %arg0[%get3A, %get3A_0] : memref<2x10000xf32, #tpu.memory_space<vmem>>, vector<1x10000xf32>
    %get3A_2 = vector.shape_cast %get3A_1 : vector<1x10000xf32> to vector<10000xf32>
    %get3A_3 = arith.constant 1 : index
    %get3A_4 = arith.constant 0 : index
    %get3A_5 = vector.load %arg0[%get3A_3, %get3A_4] : memref<2x10000xf32, #tpu.memory_space<vmem>>, vector<1x10000xf32>
    %get3A_6 = vector.shape_cast %get3A_5 : vector<1x10000xf32> to vector<10000xf32>
    %add3A = arith.addf %get3A_2, %get3A_6 : vector<10000xf32>
    %add3A_7 = arith.constant 1.000000e+00 : f32
    %add3A_8 = vector.broadcast %add3A_7 : f32 to vector<10000xf32>
    %add3A_9 = arith.addf %add3A, %add3A_8 : vector<10000xf32>
    %rsqrt3A = math.rsqrt %add3A_9 : vector<10000xf32>
    %swap3A = arith.constant 0 : index
    %swap3A_10 = vector.load %arg3[%swap3A] : memref<10000xf32, #tpu.memory_space<vmem>>, vector<10000xf32>
    tpu.vector_store %arg3[%swap3A], %rsqrt3A {strides = array<i32>} : memref<10000xf32, #tpu.memory_space<vmem>>, vector<10000xf32>,
    %get3A_11 = arith.constant 0 : index
    %get3A_12 = arith.constant 0 : index
    %get3A_13 = vector.load %arg1[%get3A_11, %get3A_12] : memref<10000x128xf32, #tpu.memory_space<vmem>>, vector<10000x128xf32>
    %get3A_14 = arith.constant 0 : index
    %get3A_15 = arith.constant 0 : index
    %get3A_16 = vector.load %arg2[%get3A_14, %get3A_15] : memref<128x128xf32, #tpu.memory_space<vmem>>, vector<128x128xf32>
    %dot_general3A = arith.constant dense<0.000000e+00> : vector<10000x128xf32>
    %dot_general3A_17 = tpu.matmul %get3A_13, %get3A_16, %dot_general3A {dimension_numbers = #tpu.dot_dimension_numbers<[1], [0], [0], [1], [0, 0, 1, 1], [], []>, transpose_lhs_hint = false} : vector<10000x128xf32>, vector<128x128xf32>, vector<10000x128xf32> -> vector<10000x128xf32>
    %broadcast_in_dim3A = vector.shape_cast %rsqrt3A : vector<10000xf32> to vector<10000x1xf32>
    %mul3A = vector.broadcast %broadcast_in_dim3A : vector<10000x1xf32> to vector<10000x128xf32>
    %mul3A_18 = arith.mulf %dot_general3A_17, %mul3A : vector<10000x128xf32>
    %swap3A_19 = arith.constant 0 : index
    %swap3A_20 = arith.constant 0 : index
    %swap3A_21 = vector.load %arg4[%swap3A_19, %swap3A_20] : memref<10000x128xf32, #tpu.memory_space<vmem>>, vector<10000x128xf32>
    tpu.vector_store %arg4[%swap3A_19, %swap3A_20], %mul3A_18 {strides = array<i32>} : memref<10000x128xf32, #tpu.memory_space<vmem>>, vector<10000x128xf32>,
    return
  }
}

module attributes {stable_mosaic.version = 14 : i64} {
  func.func @_tc_finish_body(%arg0: memref<10000x128xf32, #tpu.memory_space<vmem>>, %arg1: memref<10000x128xf32, #tpu.memory_space<vmem>>, %arg2: memref<10000xf32, #tpu.memory_space<vmem>>, %arg3: memref<64xf32, #tpu.memory_space<vmem>>, %arg4: memref<64xf32, #tpu.memory_space<vmem>>, %arg5: memref<10000x64xf32, #tpu.memory_space<vmem>>, %arg6: memref<10000x64xf32, #tpu.memory_space<vmem>>) attributes {dimension_semantics = [], scalar_prefetch = 0 : i64, scratch_operands = 0 : i64, tpu.core_type = #tpu.core_type<tc>} {
    %get3A = arith.constant 0 : index
    %get3A_0 = vector.load %arg2[%get3A] : memref<10000xf32, #tpu.memory_space<vmem>>, vector<10000xf32>
    %broadcast_in_dim3A = vector.shape_cast %get3A_0 : vector<10000xf32> to vector<10000x1xf32>
    %get3A_1 = arith.constant 0 : index
    %get3A_2 = arith.constant 0 : index
    %get3A_3 = vector.load %arg0[%get3A_1, %get3A_2] : memref<10000x128xf32, #tpu.memory_space<vmem>>, vector<10000x128xf32>
    %get3A_4 = arith.constant 0 : index
    %get3A_5 = arith.constant 0 : index
    %get3A_6 = vector.load %arg1[%get3A_4, %get3A_5] : memref<10000x128xf32, #tpu.memory_space<vmem>>, vector<10000x128xf32>
    %add3A = arith.addf %get3A_3, %get3A_6 : vector<10000x128xf32>
    %mul3A = vector.broadcast %broadcast_in_dim3A : vector<10000x1xf32> to vector<10000x128xf32>
    %mul3A_7 = arith.mulf %add3A, %mul3A : vector<10000x128xf32>
    %slice3A = vector.extract_strided_slice %mul3A_7 {offsets = [0, 0], sizes = [10000, 64], strides = [1, 1]} : vector<10000x128xf32> to vector<10000x64xf32>
    %get3A_8 = arith.constant 0 : index
    %get3A_9 = vector.load %arg3[%get3A_8] : memref<64xf32, #tpu.memory_space<vmem>>, vector<64xf32>
    %broadcast_in_dim3A_10 = vector.shape_cast %get3A_9 : vector<64xf32> to vector<1x64xf32>
    %add3A_11 = vector.broadcast %broadcast_in_dim3A_10 : vector<1x64xf32> to vector<10000x64xf32>
    %add3A_12 = arith.addf %slice3A, %add3A_11 : vector<10000x64xf32>
    %swap3A = arith.constant 0 : index
    %swap3A_13 = arith.constant 0 : index
    %swap3A_14 = vector.load %arg5[%swap3A, %swap3A_13] : memref<10000x64xf32, #tpu.memory_space<vmem>>, vector<10000x64xf32>
    tpu.vector_store %arg5[%swap3A, %swap3A_13], %add3A_12 {strides = array<i32>} : memref<10000x64xf32, #tpu.memory_space<vmem>>, vector<10000x64xf32>,
    %slice3A_15 = vector.extract_strided_slice %mul3A_7 {offsets = [0, 64], sizes = [10000, 64], strides = [1, 1]} : vector<10000x128xf32> to vector<10000x64xf32>
    %get3A_16 = arith.constant 0 : index
    %get3A_17 = vector.load %arg4[%get3A_16] : memref<64xf32, #tpu.memory_space<vmem>>, vector<64xf32>
    %broadcast_in_dim3A_18 = vector.shape_cast %get3A_17 : vector<64xf32> to vector<1x64xf32>
    %add3A_19 = vector.broadcast %broadcast_in_dim3A_18 : vector<1x64xf32> to vector<10000x64xf32>
    %add3A_20 = arith.addf %slice3A_15, %add3A_19 : vector<10000x64xf32>
    %swap3A_21 = arith.constant 0 : index
    %swap3A_22 = arith.constant 0 : index
    %swap3A_23 = vector.load %arg6[%swap3A_21, %swap3A_22] : memref<10000x64xf32, #tpu.memory_space<vmem>>, vector<10000x64xf32>
    tpu.vector_store %arg6[%swap3A_21, %swap3A_22], %add3A_20 {strides = array<i32>} : memref<10000x64xf32, #tpu.memory_space<vmem>>, vector<10000x64xf32>,
    return
  }
}

</mosaic_0001>

<sc_bundles>
// kernel: kernel.6.cloned.1.call-start
scs
__scs_entry_jumppad:
0x0: {  	(pc) =	sbr.rel $0x88, $3  }
0x1: {  	(tag) =	ssettag $0x0;
	lr =	simm.s32 $0x1  }
0x2: {  	[smem:$0x3F9B] =	sst lr;
	_ =	strace $0xD0000000  }
0x3: {  	_ = 	snop  }
0x4: {  	_ = 	snop  }
0x5: {  	_ = 	snop  }
0x6: {  	_ = 	snop  }
0x7: {  	_ = 	snop  }
__scs_overlays_trampoline_lowered:
0x8: {  	[smem:$0x3FAA] =	sst s0  }
0x9: {  	[smem:$0x3FAB] =	sst s1  }
0xa: {  	[smem:$0x3FAC] =	sst s2  }
0xb: {  	[smem:$0x3FAD] =	sst s3  }
0xc: {  	[smem:$0x3FAE] =	sst s4  }
0xd: {  	[smem:$0x3FAF] =	sst s5  }
0xe: {  	[smem:$0x3FB0] =	sst s6  }
0xf: {  	[smem:$0x3FB1] =	sst s7  }
0x10: {  	[smem:$0x3FB2] =	sst s8  }
0x11: {  	[smem:$0x3FB3] =	sst s9;
	s0 =	simm.s32 @!p0 $0x0  }
0x12: {  	s1 =	sld [smem:$0x3F99];
	s0 =	simm.s32 @p0 $0x1  }
0x13: {  	[smem:$0x3FB4] =	sst s0;
	s0 =	simm.s32 @!p1 $0x0  }
0x14: {  	s2 =	sld [smem:$0x3F98];
	s0 =	simm.s32 @p1 $0x1  }
0x15: {  	[smem:$0x3FB5] =	sst s0;
	s0 =	simm.s32 @!p2 $0x0  }
0x16: {  	s3 =	sld [smem:$0x3FDB];
	s0 =	simm.s32 @p2 $0x1  }
0x17: {  	s4 =	simm.s32 $0x1BF5;
	[smem:$0x3FB7] =	sst s0  }
0x18: {  	s0 =	sld [smem:$0x3F9A];
	_ =	swait.ge [sflag:s4], $0x0  }
0x19: {  	s7 =	sld [smem:$0x3F9B]  }
0x1a: {  	s8 =	sadd.s32 $0xFFFFE003, lr  }
0x1b: {  	s9 =	sadd.s32 $0xFFFFFEF7, lr;
	s5 =	simm.s32 $0xFFFFFFFF;
	p2 =	slt.u32 s8, $0xFFFFF086  }
0x1c: {  	p1 =	slt.u32 s9, $0xF7A;
	s5 =	simm.s32 @!p2 $0x0  }
0x1d: {  	s5 =	simm.s32 @p1 $0x1;
	p0 =	seq.s32 s7, s2  }
0x1e: {  	s7 =	smul.u32 @!p0 $0xF7A, s2;
	p2 =	seq.s32 @!p0 s5, $0x0  }
0x1f: {  	s9 =	smul.u32 $0xF7A, s1;
	s8 =	simm.s32 @!p0 $0x1BF5;
	p2 =	por !p2, p0  }
0x20: {  	[sflag:s8] =	ssyncset.s32 @!p0 $0xFFFFF086;
	s6 =	sadd.s32 @!p0 s3, s7;
	s7 =	simm.s32 @!p0 $0x108  }
0x21: {  	s3 =	sadd.s32 s3, s9;
	s6 =	sadd.s32 @!p0 $0x88, s6;
	s7 =	simm.s32 @p2 $0x1082  }
0x22: {  	[simem:s7], [sflag:s8] =	dma.local @!p0 [hbm:s6], $0xF7A  }
0x23: {  	s9 =	sor.u32 $0xD0000000, s2;
	s6 =	simm.s32 $0x108;
	_ =	swait.ge @!p0 [sflag:s8], $0x0  }
0x24: {  	s3 =	sadd.s32 $0x88, s3;
	s6 =	simm.s32 @!p1 $0x1082;
	[sflag:s4] =	ssyncset.s32 $0xFFFFF086  }
0x25: {  	[simem:s6], [sflag:s4] =	dma.local [hbm:s3], $0xF7A  }
0x26: {  	[smem:$0x3F9B] =	sst s1;
	(tag) =	ssettag s2;
	_ =	strace s9  }
0x27: {  	s1 =	sld [smem:$0x3FAB]  }
0x28: {  	s2 =	sld [smem:$0x3FAC]  }
0x29: {  	s4 =	sld [smem:$0x3FAE]  }
0x2a: {  	p0 =	seq.s32 s5, $0x0;
	s5 =	sld [smem:$0x3FAF]  }
0x2b: {  	s6 =	sld [smem:$0x3FB0]  }
0x2c: {  	s7 =	sld [smem:$0x3FB1]  }
0x2d: {  	s3 =	simm.s32 $0x108;
	s8 =	sld [smem:$0x3FB2]  }
0x2e: {  	s3 =	simm.s32 @!p0 $0x1082;
	s9 =	sld [smem:$0x3FB3]  }
0x2f: {  	lr =	sadd.s32 s0, s3;
	s0 =	sld [smem:$0x3FAA]  }
0x30: {  	s3 =	sld [smem:$0x3FAD]  }
0x31: {  	[smem:$0x3FB6] =	sst s10  }
0x32: {  	s10 =	sld [smem:$0x3FB4];
	_ =	sdelay $0x3  }
0x33: {  	p0 =	seq.s32 s10, $0x1;
	s10 =	sld [smem:$0x3FB6];
	_ =	sdelay $0x3  }
0x34: {  	[smem:$0x3FB6] =	sst s10  }
0x35: {  	s10 =	sld [smem:$0x3FB5];
	_ =	sdelay $0x3  }
0x36: {  	p1 =	seq.s32 s10, $0x1;
	s10 =	sld [smem:$0x3FB6];
	_ =	sdelay $0x3  }
0x37: {  	[smem:$0x3FB6] =	sst s10  }
0x38: {  	s10 =	sld [smem:$0x3FB7]  }
0x39: {  	_ = 	snop;
	(pc) =	sbr.ind lr, $3  }
0x3a: {  	_ = 	snop  }
0x3b: {  	_ = 	snop  }
0x3c: {  	p2 =	seq.s32 s10, $0x1;
	s10 =	sld [smem:$0x3FB6]  }
0x3d: {  	_ =	shalt  }
0x3e: {  	_ =	shalt  }
0x3f: {  	_ =	shalt  }
0x40: {  	_ =	shalt  }
0x41: {  	_ =	shalt  }
0x42: {  	_ =	shalt  }
0x43: {  	_ =	shalt  }
0x44: {  	_ =	shalt  }
0x45: {  	_ =	shalt  }
0x46: {  	_ =	shalt  }
0x47: {  	_ =	shalt  }
0x48: {  	_ =	shalt  }
0x49: {  	_ =	shalt  }
0x4a: {  	_ =	shalt  }
0x4b: {  	_ =	shalt  }
0x4c: {  	_ =	shalt  }
0x4d: {  	_ =	shalt  }
0x4e: {  	_ =	shalt  }
0x4f: {  	_ =	shalt  }
0x50: {  	_ =	shalt  }
0x51: {  	_ =	shalt  }
0x52: {  	_ =	shalt  }
0x53: {  	_ =	shalt  }
0x54: {  	_ =	shalt  }
0x55: {  	_ =	shalt  }
0x56: {  	_ =	shalt  }
0x57: {  	_ =	shalt  }
0x58: {  	_ =	shalt  }
0x59: {  	_ =	shalt  }
0x5a: {  	_ =	shalt  }
0x5b: {  	_ =	shalt  }
0x5c: {  	_ =	shalt  }
0x5d: {  	_ =	shalt  }
0x5e: {  	_ =	shalt  }
0x5f: {  	_ =	shalt  }
0x60: {  	_ =	shalt  }
0x61: {  	_ =	shalt  }
0x62: {  	_ =	shalt  }
0x63: {  	_ =	shalt  }
0x64: {  	_ =	shalt  }
0x65: {  	_ =	shalt  }
0x66: {  	_ =	shalt  }
0x67: {  	_ =	shalt  }
0x68: {  	_ =	shalt  }
0x69: {  	_ =	shalt  }
0x6a: {  	_ =	shalt  }
0x6b: {  	_ =	shalt  }
0x6c: {  	_ =	shalt  }
0x6d: {  	_ =	shalt  }
0x6e: {  	_ =	shalt  }
0x6f: {  	_ =	shalt  }
0x70: {  	_ =	shalt  }
0x71: {  	_ =	shalt  }
0x72: {  	_ =	shalt  }
0x73: {  	_ =	shalt  }
0x74: {  	_ =	shalt  }
0x75: {  	_ =	shalt  }
0x76: {  	_ =	shalt  }
0x77: {  	_ =	shalt  }
0x78: {  	_ =	shalt  }
0x79: {  	_ =	shalt  }
0x7a: {  	_ =	shalt  }
0x7b: {  	_ =	shalt  }
0x7c: {  	_ =	shalt  }
0x7d: {  	_ =	shalt  }
0x7e: {  	_ =	shalt  }
0x7f: {  	_ =	shalt  }
0x80: {  	_ =	shalt  }
0x81: {  	_ =	shalt  }
0x82: {  	_ =	shalt  }
0x83: {  	_ =	shalt  }
0x84: {  	_ =	shalt  }
0x85: {  	_ =	shalt  }
0x86: {  	_ =	shalt  }
0x87: {  	_ =	shalt  }
.Lfunc_end0:
.L_simem_size_0:
called_computation_lowered:
.L_overlay_start_0:
0x88: {  	s2 =	sld [smem:$0x3FD9]  }
0x89: {  	s3 =	sld [smem:$0x3FFE];
	_ =	sdelay $0x1  }
0x8a: {  	s1 =	srdreg.scid  }
0x8b: {  	s0 =	sand.u32 $0x1, s1  }
0x8c: {  	s14 =	sshll.u32 s0, $0xA;
	s2 =	sadd.s32 s3, s2  }
0x8d: {  	s2 =	sadd.s32 s2, s14  }
0x8e: {  	[smem:$0x3FC2] =	sst s2  }
0x8f: {  	_ = 	snop  }
0x90: {  	s2 =	sld [smem:$0x3FD0];
	_ =	sdelay $0x2  }
0x91: {  	s15 =	simm.s32 $0xA;
	s4 =	simm.s32 $0x10  }
0x92: {  	[smem:s4], [sflag:s15] =	dma.local [hbm:s2], $0x1  }
0x93: {  	_ =	swait.eq [sflag:s15], $0x1  }
0x94: {  	[sflag:s15] =	ssyncset.done $0x0  }
0x95: {  	[sflag:s15] =	ssyncadd.s32 $0xFFFFFFFF  }
0x96: {  	s16 =	sld [smem:$0x11];
	(tm) =	ssettm $0x1  }
0x97: {  	s17 =	sld [smem:$0x3FFB];
	_ =	sdelay $0x3  }
0x98: {  	_ =	strace s17  }
0x99: {  	s3 =	sld [smem:$0x3FFC];
	_ =	sdelay $0x3  }
0x9a: {  	_ =	strace s3  }
0x9b: {  	s3 =	sld [smem:$0x3FFD];
	_ =	sdelay $0x3  }
0x9c: {  	_ =	strace s3  }
0x9d: {  	_ =	strace $0x8FFFFFFF  }
0x9e: {  	s18 =	sld [smem:$0x3FDB];
	_ =	sdelay $0x1  }
0x9f: {  	s19 =	simm.s32 $_scs_section_size  }
0xa0: {  	s5 =	simm.s32 $_size__tile_overlayer_lowered;
	s6 =	simm.s32 $_tile_overlayer_lowered  }
0xa1: {  	s22 =	simm.s32 $0x1BFF;
	s21 =	sshll.u32 s6, $0x1;
	s3 =	sadd.s32 s19, s18  }
0xa2: {  	s7 =	simm.s32 $0x0;
	s20 =	sshll.u32 s5, $0x1;
	s5 =	sadd.s32 s21, s3  }
0xa3: {  	[timem:s7], [sflag:s22] =	dma.local [hbm:s5], s20  }
0xa4: {  	_ =	swait.ge [sflag:s22], s20  }
0xa5: {  	s4 =	ssub.s32 $0x0, s20;
	[sflag:s22] =	ssyncset.done $0x0  }
0xa6: {  	[sflag:s22] =	ssyncadd.s32 s4;
	_ =	sdelay $0x1  }
0xa7: {  	s23 =	simm.s32 $0x1B8B  }
0xa8: {  	_ =	swait.ge [sflag:s23], $0x1  }
0xa9: {  	[sflag:s23] =	ssyncset.done $0x0  }
0xaa: {  	s25 =	simm.s32 $0x1B8E;
	s24 =	sld [smem:$0x3FFE];
	[sflag:s23] =	ssyncadd.s32 $0xFFFFFFFF  }
0xab: {  	s26 =	simm.s32 $execute0_lowered;
	[smem:$0x3FD2] =	sst s25  }
0xac: {  	s5 =	sshll.u32 s26, $0x1;
	_ =	strace $0x80000046;
	[dreg:$0x1] =	wrdreg $0xFFFFFFFF  }
0xad: {  	s28 =	simm.s32 $_size_execute0_lowered;
	s3 =	sadd.s32 s3, s5;
	[dreg:$0x0] =	wrdreg $0x0  }
0xae: {  	s5 =	sshll.u32 s28, $0x1;
	[dreg:$0x2] =	wrdreg s3  }
0xaf: {  	[dreg:$0x3] =	wrdreg s5  }
0xb0: {  	[dreg:$0x4] =	wrdreg $0xC0  }
0xb1: {  	_ =	task [dreg:s7], $0x5FFFF  }
0xb2: {  	[dreg:$0x1] =	wrdreg $0xFFFFFFFF  }
0xb3: {  	[dreg:$0x0] =	wrdreg $0x60  }
0xb4: {  	[dreg:$0x2] =	wrdreg s16  }
0xb5: {  	[dreg:$0x3] =	wrdreg s24  }
0xb6: {  	[dreg:$0x4] =	wrdreg $0x1000  }
0xb7: {  	[dreg:$0x5] =	wrdreg $0x9  }
0xb8: {  	_ =	task.clear_ibuf [dreg:s7], $0x6FFFF;
	_ =	strace $0x90000046  }
0xb9: {  	s29 =	simm.s32 $0x9;
	_ =	strace $0x80000048  }
0xba: {  	_ =	swait.ge [sflag:s29], $0x1  }
0xbb: {  	[sflag:s29] =	ssyncadd.s32 $0xFFFFFFFF  }
0xbc: {  	_ =	strace $0x90000048  }
0xbd: {  	_ =	sfence  }
0xbe: {  	s30 =	sld [smem:$0x0];
	_ =	sdelay $0x2  }
0xbf: {  	s31 =	sshll.u32 s1, $0xD;
	s1 =	sshrl.u32 s1, $0x2  }
0xc0: {  	s3 =	sand.u32 $0x4000, s31;
	s1 =	sadd.s32 s1, s30  }
0xc1: {  	s0 =	sor.u32 s3, s0;
	s1 =	sshll.u32 s1, $0x11  }
0xc2: {  	s0 =	sor.u32 s1, s0  }
0xc3: {  	s0 =	sadd.s32 $0x8F2B, s0  }
0xc4: {  	[sflag:s0] =	ssyncadd.remote.s32 $0x1  }
0xc5: {  	_ =	sfence.sel $0xFFFF  }
0xc6: {  	[dreg:$0x0] =	wrdreg $0xFFFFFFFF;
	(pc) =	sbr.abs _section_cstart, $3  }
0xc7: {  	[dreg:$0x1] =	wrdreg $0xFFFFFFFF  }
0xc8: {  	_ =	task.clear_ibuf [dreg:s7], $0x2FFFF;
	_ =	strace $0x9FFFFFFF  }
0xc9: {  	(tm) =	ssettm $0x7FFFFFFF  }
tec
execute0_lowered:
.L_overlay_start_1:
0x0: {  	(tag) =	ssettag $0x1  }
0x1: {  	s6 =	rddreg [dreg:$0x0]  }
0x2: {  	s4 =	rddreg [dreg:$0x1]  }
0x3: {  	s1 =	rddreg [dreg:$0x2]  }
0x4: {  	s0 =	rddreg [dreg:$0x3];
	s2 =	simm.s32 $0x0  }
0x5: {  	s3 =	srdreg.scid;
	s7 =	stileid.u32;
	s11 =	simm.s32 $0x0  }
0x6: {  	[smem:$0x7FF] =	sst s2;
	s3 =	sand.u32 $0x1, s3;
	s10 =	smul.u32 $0x2710, s7  }
0x7: {  	p0 =	sne.s32 s7, $0x0;
	_ =	strace $0x80000047;
	s5 =	smul.u32 $0x27100, s3  }
0x8: {  	s8 =	sshll.u32 s3, $0x4;
	s9 =	ssub.s32 $0x2, s3;
	s3 =	sadd.s32 $0x2000, s4  }
0x9: {  	s7 =	sshrl.u32 @!p0 s1, $0x3;
	s4 =	sadd.s32 s8, s4;
	s29 =	sshrl.u32 s9, $0x1  }
0xa: {  	s8 =	ssub.s32 s9, s29;
	s4 =	sadd.s32 $0x2600, s4;
	s30 =	sadd.s32 s10, s5  }
0xb: {  	s9 =	simm.s32 $0x50;
	s10 =	simm.s32 $0x80;
	s31 =	sshrl.u32 s30, $0x3  }
0xc: {  	v0 =	vimm.f32 $1.000000000e+00;
	s5 =	smax.u32 s8, $0x1;
	s8 =	simm.s32 $0x1;
	s6 =	sadd.s32 s31, s6  }
.LBB2_1:
0xd: {  	s12 =	simm.s32 @!p0 $0x1C01  }
0xe: {  	[spmem:s7], [sflag:s12] =	dma.local @!p0 [hbm:s3], $0x4F0  }
0xf: {  	s12 =	simm.s32 @!p0 $0x1  }
0x10: {  	_ =	swait.ge @!p0 [sflag:s12], $0x4F0  }
0x11: {  	[sflag:s12] =	ssyncset.done @!p0 $0x0  }
0x12: {  	[sflag:s12] =	ssyncadd.s32 @!p0 $0xFFFFFB10  }
0x13: {  	[tilespmem:$0x80] =	vst v0  }
0x14: {  	[tilespmem:$0x90] =	vst v0  }
0x15: {  	[tilespmem:$0xA0] =	vst v0  }
0x16: {  	[tilespmem:$0xB0] =	vst v0  }
0x17: {  	[tilespmem:$0xC0] =	vst v0  }
0x18: {  	s31 =	sadd.s32 $0x0, s6;
	[bflag:$0x0] =	sbarrier.arrive $0xFFFF  }
0x19: {  	[tilespmem:s2], [sflag:$0x1] =	stream.linear.gather [hbm4b:s31+s2], $0x50, $0x38;
	[tilespmem:$0x378] =	vst v63  }
0x1a: {  	_ =	swait.ge [sflag:s8], $0x50  }
0x1b: {  	[sflag:s8] =	ssyncset.done $0x0  }
0x1c: {  	[sflag:s8] =	ssyncadd.s32 $0xFFFFFFB0  }
0x1d: {  	[spmem:s1] =	stream.indirect.scatter.add.f32 [tilespmem:s10], [sflag:$0x1], $0x1, s2, s9, $0xb8;
	[tilespmem:$0x378] =	vst v63  }
0x1e: {  	_ =	swait.ge [sflag:s8], $0x50  }
0x1f: {  	s13 =	simm.s32 $0x14;
	s12 =	simm.s32 $0xA;
	[sflag:s8] =	ssyncset.done $0x0  }
.LBB2_2:
0x20: {  	s14 =	sadd.s32 s12, s6  }
0x21: {  	[sflag:s8] =	ssyncadd.s32 $0xFFFFFFB0;
	s12 =	smov.u32 s13;
	s15 =	sadd.s32 $0xA, s13  }
0x22: {  	[tilespmem:s2], [sflag:$0x1] =	stream.linear.gather [hbm4b:s14+s2], $0x50, $0x38;
	[tilespmem:$0x378] =	vst v63  }
0x23: {  	p1 =	sne.s32 s13, $0x4D8;
	_ =	swait.ge [sflag:s8], $0x50  }
.Ltmp0:
0x24: {  	[sflag:s8] =	ssyncset.done $0x0;
	(pc) =	sbr.rel @p1 .LBB2_2-.Ltmp0, $4  }
0x25: {  	[sflag:s8] =	ssyncadd.s32 $0xFFFFFFB0  }
0x26: {  	[spmem:s1] =	stream.indirect.scatter.add.f32 [tilespmem:s10], [sflag:$0x1], $0x1, s2, s9, $0xb8;
	[tilespmem:$0x378] =	vst v63  }
0x27: {  	_ =	swait.ge [sflag:s8], $0x50  }
0x28: {  	s13 =	smov.u32 s15;
	[sflag:s8] =	ssyncset.done $0x0  }
0x29: {  	s12 =	sadd.s32 s12, s6;
	[sflag:s8] =	ssyncadd.s32 $0xFFFFFFB0  }
0x2a: {  	[tilespmem:s2], [sflag:$0x1] =	stream.linear.gather [hbm4b:s12+s2], $0x50, $0x38;
	[tilespmem:$0x378] =	vst v63  }
0x2b: {  	_ =	swait.ge [sflag:s8], $0x50  }
0x2c: {  	[sflag:s8] =	ssyncset.done $0x0  }
0x2d: {  	[sflag:s8] =	ssyncadd.s32 $0xFFFFFFB0  }
0x2e: {  	[spmem:s1] =	stream.indirect.scatter.add.f32 [tilespmem:s10], [sflag:$0x1], $0x1, s2, s9, $0xb8;
	[tilespmem:$0x378] =	vst v63  }
0x2f: {  	s13 =	simm.s32 @!p0 $0x20;
	_ =	swait.ge [sflag:s8], $0x50  }
0x30: {  	s14 =	simm.s32 @!p0 $0x10;
	s11 =	sadd.s32 $0x1, s11;
	[sflag:s8] =	ssyncset.done $0x0  }
0x31: {  	s15 =	simm.s32 @!p0 $0x1C01;
	p1 =	sne.s32 s11, s5;
	[sflag:s8] =	ssyncadd.s32 $0xFFFFFFB0  }
.Ltmp1:
0x32: {  	s12 =	simm.s32 @!p0 $0x1;
	[bflag:$0x0] =	sbarrier.arrive $0xFFFF;
	(pc) =	sbr.rel @p1 .LBB2_1-.Ltmp1, $4  }
0x33: {  	[hbm:s4@s13], [sflag:s15] =	dma.strided @!p0 [spmem:s7@s14], $0x4F0, s12, $0x10   }
0x34: {  	_ =	swait.ge @!p0 [sflag:s12], $0x4F0  }
0x35: {  	[sflag:s12] =	ssyncset.done @!p0 $0x0  }
0x36: {  	[sflag:s12] =	ssyncadd.s32 @!p0 $0xFFFFFB10  }
0x37: {  	_ =	sfence.sel $0x180000  }
0x38: {  	[bflag:$0x0] =	sbarrier.arrive $0xFFFF  }
0x39: {  	_ =	strace $0x90000047  }
0x3a: {  	s0 =	sadd.s32 @!p0 $0x100000, s0;
	[bflag:$0x2] =	sbarrier.arrive $0xFFFF  }
0x3b: {  	[sflag:s0] =	ssyncadd.tile.s32 @!p0 $0x1;
	_ =	shalt  }
.Lfunc_end2:
_tile_overlayer_lowered:
.L_overlay_start_2:
0x3c: {  	(tag) =	ssettag $0x2  }
0x3d: {  	s0 =	rddreg [dreg:$0x0];
	s2 =	stileid.u32  }
0x3e: {  	s1 =	rddreg [dreg:$0x1];
	p0 =	sne.s32 s2, $0x0  }
0x3f: {  	s3 =	rddreg [dreg:$0x2];
	[bflag:$0x3] =	sbarrier.arrive $0xFFFF;
	s2 =	simm.s32 @!p0 $0x1C01  }
0x40: {  	[timem:s3], [sflag:s2] =	dma.local @!p0 [hbm:s0], s1  }
0x41: {  	s0 =	simm.s32 @!p0 $0x1  }
0x42: {  	_ =	swait.ge @!p0 [sflag:s0], s1  }
0x43: {  	s1 =	ssub.s32 @!p0 $0x0, s1;
	[sflag:s0] =	ssyncset.done @!p0 $0x0  }
0x44: {  	[sflag:s0] =	ssyncadd.s32 @!p0 s1  }
0x45: {  	[bflag:$0x3] =	sbarrier.arrive $0xFFFF  }
0x46: {  	_ =	shalt  }

// kernel: kernel.9.cloned.1.call-start
scs
__scs_entry_jumppad:
0x0: {  	(pc) =	sbr.rel $0x88, $3  }
0x1: {  	(tag) =	ssettag $0x0;
	lr =	simm.s32 $0x1  }
0x2: {  	[smem:$0x3F9B] =	sst lr;
	_ =	strace $0xD0000000  }
0x3: {  	_ = 	snop  }
0x4: {  	_ = 	snop  }
0x5: {  	_ = 	snop  }
0x6: {  	_ = 	snop  }
0x7: {  	_ = 	snop  }
__scs_overlays_trampoline_lowered:
0x8: {  	[smem:$0x3FAA] =	sst s0  }
0x9: {  	[smem:$0x3FAB] =	sst s1  }
0xa: {  	[smem:$0x3FAC] =	sst s2  }
0xb: {  	[smem:$0x3FAD] =	sst s3  }
0xc: {  	[smem:$0x3FAE] =	sst s4  }
0xd: {  	[smem:$0x3FAF] =	sst s5  }
0xe: {  	[smem:$0x3FB0] =	sst s6  }
0xf: {  	[smem:$0x3FB1] =	sst s7  }
0x10: {  	[smem:$0x3FB2] =	sst s8  }
0x11: {  	[smem:$0x3FB3] =	sst s9;
	s0 =	simm.s32 @!p0 $0x0  }
0x12: {  	s1 =	sld [smem:$0x3F99];
	s0 =	simm.s32 @p0 $0x1  }
0x13: {  	[smem:$0x3FB4] =	sst s0;
	s0 =	simm.s32 @!p1 $0x0  }
0x14: {  	s2 =	sld [smem:$0x3F98];
	s0 =	simm.s32 @p1 $0x1  }
0x15: {  	[smem:$0x3FB5] =	sst s0;
	s0 =	simm.s32 @!p2 $0x0  }
0x16: {  	s3 =	sld [smem:$0x3FDB];
	s0 =	simm.s32 @p2 $0x1  }
0x17: {  	s4 =	simm.s32 $0x1BF5;
	[smem:$0x3FB7] =	sst s0  }
0x18: {  	s0 =	sld [smem:$0x3F9A];
	_ =	swait.ge [sflag:s4], $0x0  }
0x19: {  	s7 =	sld [smem:$0x3F9B]  }
0x1a: {  	s8 =	sadd.s32 $0xFFFFE003, lr  }
0x1b: {  	s9 =	sadd.s32 $0xFFFFFEF7, lr;
	s5 =	simm.s32 $0xFFFFFFFF;
	p2 =	slt.u32 s8, $0xFFFFF086  }
0x1c: {  	p1 =	slt.u32 s9, $0xF7A;
	s5 =	simm.s32 @!p2 $0x0  }
0x1d: {  	s5 =	simm.s32 @p1 $0x1;
	p0 =	seq.s32 s7, s2  }
0x1e: {  	s7 =	smul.u32 @!p0 $0xF7A, s2;
	p2 =	seq.s32 @!p0 s5, $0x0  }
0x1f: {  	s9 =	smul.u32 $0xF7A, s1;
	s8 =	simm.s32 @!p0 $0x1BF5;
	p2 =	por !p2, p0  }
0x20: {  	[sflag:s8] =	ssyncset.s32 @!p0 $0xFFFFF086;
	s6 =	sadd.s32 @!p0 s3, s7;
	s7 =	simm.s32 @!p0 $0x108  }
0x21: {  	s3 =	sadd.s32 s3, s9;
	s6 =	sadd.s32 @!p0 $0x88, s6;
	s7 =	simm.s32 @p2 $0x1082  }
0x22: {  	[simem:s7], [sflag:s8] =	dma.local @!p0 [hbm:s6], $0xF7A  }
0x23: {  	s9 =	sor.u32 $0xD0000000, s2;
	s6 =	simm.s32 $0x108;
	_ =	swait.ge @!p0 [sflag:s8], $0x0  }
0x24: {  	s3 =	sadd.s32 $0x88, s3;
	s6 =	simm.s32 @!p1 $0x1082;
	[sflag:s4] =	ssyncset.s32 $0xFFFFF086  }
0x25: {  	[simem:s6], [sflag:s4] =	dma.local [hbm:s3], $0xF7A  }
0x26: {  	[smem:$0x3F9B] =	sst s1;
	(tag) =	ssettag s2;
	_ =	strace s9  }
0x27: {  	s1 =	sld [smem:$0x3FAB]  }
0x28: {  	s2 =	sld [smem:$0x3FAC]  }
0x29: {  	s4 =	sld [smem:$0x3FAE]  }
0x2a: {  	p0 =	seq.s32 s5, $0x0;
	s5 =	sld [smem:$0x3FAF]  }
0x2b: {  	s6 =	sld [smem:$0x3FB0]  }
0x2c: {  	s7 =	sld [smem:$0x3FB1]  }
0x2d: {  	s3 =	simm.s32 $0x108;
	s8 =	sld [smem:$0x3FB2]  }
0x2e: {  	s3 =	simm.s32 @!p0 $0x1082;
	s9 =	sld [smem:$0x3FB3]  }
0x2f: {  	lr =	sadd.s32 s0, s3;
	s0 =	sld [smem:$0x3FAA]  }
0x30: {  	s3 =	sld [smem:$0x3FAD]  }
0x31: {  	[smem:$0x3FB6] =	sst s10  }
0x32: {  	s10 =	sld [smem:$0x3FB4];
	_ =	sdelay $0x3  }
0x33: {  	p0 =	seq.s32 s10, $0x1;
	s10 =	sld [smem:$0x3FB6];
	_ =	sdelay $0x3  }
0x34: {  	[smem:$0x3FB6] =	sst s10  }
0x35: {  	s10 =	sld [smem:$0x3FB5];
	_ =	sdelay $0x3  }
0x36: {  	p1 =	seq.s32 s10, $0x1;
	s10 =	sld [smem:$0x3FB6];
	_ =	sdelay $0x3  }
0x37: {  	[smem:$0x3FB6] =	sst s10  }
0x38: {  	s10 =	sld [smem:$0x3FB7]  }
0x39: {  	_ = 	snop;
	(pc) =	sbr.ind lr, $3  }
0x3a: {  	_ = 	snop  }
0x3b: {  	_ = 	snop  }
0x3c: {  	p2 =	seq.s32 s10, $0x1;
	s10 =	sld [smem:$0x3FB6]  }
0x3d: {  	_ =	shalt  }
0x3e: {  	_ =	shalt  }
0x3f: {  	_ =	shalt  }
0x40: {  	_ =	shalt  }
0x41: {  	_ =	shalt  }
0x42: {  	_ =	shalt  }
0x43: {  	_ =	shalt  }
0x44: {  	_ =	shalt  }
0x45: {  	_ =	shalt  }
0x46: {  	_ =	shalt  }
0x47: {  	_ =	shalt  }
0x48: {  	_ =	shalt  }
0x49: {  	_ =	shalt  }
0x4a: {  	_ =	shalt  }
0x4b: {  	_ =	shalt  }
0x4c: {  	_ =	shalt  }
0x4d: {  	_ =	shalt  }
0x4e: {  	_ =	shalt  }
0x4f: {  	_ =	shalt  }
0x50: {  	_ =	shalt  }
0x51: {  	_ =	shalt  }
0x52: {  	_ =	shalt  }
0x53: {  	_ =	shalt  }
0x54: {  	_ =	shalt  }
0x55: {  	_ =	shalt  }
0x56: {  	_ =	shalt  }
0x57: {  	_ =	shalt  }
0x58: {  	_ =	shalt  }
0x59: {  	_ =	shalt  }
0x5a: {  	_ =	shalt  }
0x5b: {  	_ =	shalt  }
0x5c: {  	_ =	shalt  }
0x5d: {  	_ =	shalt  }
0x5e: {  	_ =	shalt  }
0x5f: {  	_ =	shalt  }
0x60: {  	_ =	shalt  }
0x61: {  	_ =	shalt  }
0x62: {  	_ =	shalt  }
0x63: {  	_ =	shalt  }
0x64: {  	_ =	shalt  }
0x65: {  	_ =	shalt  }
0x66: {  	_ =	shalt  }
0x67: {  	_ =	shalt  }
0x68: {  	_ =	shalt  }
0x69: {  	_ =	shalt  }
0x6a: {  	_ =	shalt  }
0x6b: {  	_ =	shalt  }
0x6c: {  	_ =	shalt  }
0x6d: {  	_ =	shalt  }
0x6e: {  	_ =	shalt  }
0x6f: {  	_ =	shalt  }
0x70: {  	_ =	shalt  }
0x71: {  	_ =	shalt  }
0x72: {  	_ =	shalt  }
0x73: {  	_ =	shalt  }
0x74: {  	_ =	shalt  }
0x75: {  	_ =	shalt  }
0x76: {  	_ =	shalt  }
0x77: {  	_ =	shalt  }
0x78: {  	_ =	shalt  }
0x79: {  	_ =	shalt  }
0x7a: {  	_ =	shalt  }
0x7b: {  	_ =	shalt  }
0x7c: {  	_ =	shalt  }
0x7d: {  	_ =	shalt  }
0x7e: {  	_ =	shalt  }
0x7f: {  	_ =	shalt  }
0x80: {  	_ =	shalt  }
0x81: {  	_ =	shalt  }
0x82: {  	_ =	shalt  }
0x83: {  	_ =	shalt  }
0x84: {  	_ =	shalt  }
0x85: {  	_ =	shalt  }
0x86: {  	_ =	shalt  }
0x87: {  	_ =	shalt  }
.Lfunc_end0:
.L_simem_size_0:
called_computation.1_lowered:
.L_overlay_start_0:
0x88: {  	s2 =	sld [smem:$0x3FD9]  }
0x89: {  	s3 =	sld [smem:$0x3FFE];
	_ =	sdelay $0x1  }
0x8a: {  	s1 =	srdreg.scid  }
0x8b: {  	s0 =	sand.u32 $0x1, s1  }
0x8c: {  	s14 =	sshll.u32 s0, $0xA;
	s2 =	sadd.s32 s3, s2  }
0x8d: {  	s2 =	sadd.s32 s2, s14  }
0x8e: {  	[smem:$0x3FC2] =	sst s2  }
0x8f: {  	_ = 	snop  }
0x90: {  	s2 =	sld [smem:$0x3FD0];
	_ =	sdelay $0x2  }
0x91: {  	s15 =	simm.s32 $0xA;
	s4 =	simm.s32 $0x10  }
0x92: {  	[smem:s4], [sflag:s15] =	dma.local [hbm:s2], $0x1  }
0x93: {  	_ =	swait.eq [sflag:s15], $0x1  }
0x94: {  	[sflag:s15] =	ssyncset.done $0x0  }
0x95: {  	s16 =	sld [smem:$0x10];
	[sflag:s15] =	ssyncadd.s32 $0xFFFFFFFF  }
0x96: {  	s17 =	sld [smem:$0x11];
	(tm) =	ssettm $0x1  }
0x97: {  	s18 =	sld [smem:$0x3FFB];
	_ =	sdelay $0x3  }
0x98: {  	_ =	strace s18  }
0x99: {  	s4 =	sld [smem:$0x3FFC];
	_ =	sdelay $0x3  }
0x9a: {  	_ =	strace s4  }
0x9b: {  	s4 =	sld [smem:$0x3FFD];
	_ =	sdelay $0x3  }
0x9c: {  	_ =	strace s4  }
0x9d: {  	_ =	strace $0x8FFFFFFF  }
0x9e: {  	s19 =	sld [smem:$0x3FDB];
	_ =	sdelay $0x1  }
0x9f: {  	s5 =	simm.s32 $_scs_section_size  }
0xa0: {  	s6 =	simm.s32 $_size__tile_overlayer_lowered;
	s7 =	simm.s32 $_tile_overlayer_lowered  }
0xa1: {  	s22 =	simm.s32 $0x1BFF;
	s21 =	sshll.u32 s7, $0x1;
	s4 =	sadd.s32 s5, s19  }
0xa2: {  	s8 =	simm.s32 $0x0;
	s20 =	sshll.u32 s6, $0x1;
	s6 =	sadd.s32 s21, s4  }
0xa3: {  	[timem:s8], [sflag:s22] =	dma.local [hbm:s6], s20  }
0xa4: {  	_ =	swait.ge [sflag:s22], s20  }
0xa5: {  	s5 =	ssub.s32 $0x0, s20;
	[sflag:s22] =	ssyncset.done $0x0  }
0xa6: {  	[sflag:s22] =	ssyncadd.s32 s5;
	_ =	sdelay $0x1  }
0xa7: {  	s23 =	simm.s32 $0x1B8B  }
0xa8: {  	_ =	swait.ge [sflag:s23], $0x1  }
0xa9: {  	[sflag:s23] =	ssyncset.done $0x0  }
0xaa: {  	s25 =	simm.s32 $0x1B8E;
	s24 =	sld [smem:$0x3FFE];
	[sflag:s23] =	ssyncadd.s32 $0xFFFFFFFF  }
0xab: {  	s26 =	simm.s32 $execute0_lowered;
	[smem:$0x3FD2] =	sst s25  }
0xac: {  	s6 =	sshll.u32 s26, $0x1;
	_ =	strace $0x80000049;
	[dreg:$0x1] =	wrdreg $0xFFFFFFFF  }
0xad: {  	s28 =	simm.s32 $_size_execute0_lowered;
	s4 =	sadd.s32 s4, s6;
	[dreg:$0x0] =	wrdreg $0x0  }
0xae: {  	s6 =	sshll.u32 s28, $0x1;
	[dreg:$0x2] =	wrdreg s4  }
0xaf: {  	[dreg:$0x3] =	wrdreg s6  }
0xb0: {  	[dreg:$0x4] =	wrdreg $0xC0  }
0xb1: {  	_ =	task [dreg:s8], $0x5FFFF  }
0xb2: {  	[dreg:$0x1] =	wrdreg $0xFFFFFFFF  }
0xb3: {  	[dreg:$0x0] =	wrdreg $0x60  }
0xb4: {  	[dreg:$0x2] =	wrdreg s16  }
0xb5: {  	[dreg:$0x3] =	wrdreg s17  }
0xb6: {  	[dreg:$0x4] =	wrdreg s24  }
0xb7: {  	[dreg:$0x5] =	wrdreg $0x29000  }
0xb8: {  	[dreg:$0x6] =	wrdreg $0x9  }
0xb9: {  	_ =	task.clear_ibuf [dreg:s8], $0x7FFFF;
	_ =	strace $0x90000049  }
0xba: {  	s29 =	simm.s32 $0x9;
	_ =	strace $0x8000004B  }
0xbb: {  	_ =	swait.ge [sflag:s29], $0x1  }
0xbc: {  	[sflag:s29] =	ssyncadd.s32 $0xFFFFFFFF  }
0xbd: {  	_ =	strace $0x9000004B  }
0xbe: {  	_ =	sfence  }
0xbf: {  	s30 =	sld [smem:$0x0];
	_ =	sdelay $0x2  }
0xc0: {  	s31 =	sshll.u32 s1, $0xD;
	s1 =	sshrl.u32 s1, $0x2  }
0xc1: {  	s3 =	sand.u32 $0x4000, s31;
	s1 =	sadd.s32 s1, s30  }
0xc2: {  	s0 =	sor.u32 s3, s0;
	s1 =	sshll.u32 s1, $0x11  }
0xc3: {  	s0 =	sor.u32 s1, s0  }
0xc4: {  	s0 =	sadd.s32 $0x8F2B, s0  }
0xc5: {  	[sflag:s0] =	ssyncadd.remote.s32 $0x1  }
0xc6: {  	_ =	sfence.sel $0xFFFF  }
0xc7: {  	[dreg:$0x0] =	wrdreg $0xFFFFFFFF;
	(pc) =	sbr.abs _section_cstart, $3  }
0xc8: {  	[dreg:$0x1] =	wrdreg $0xFFFFFFFF  }
0xc9: {  	_ =	task.clear_ibuf [dreg:s8], $0x2FFFF;
	_ =	strace $0x9FFFFFFF  }
0xca: {  	(tm) =	ssettm $0x7FFFFFFF  }
0xcb: {  	_ =	shalt  }
tec
execute0_lowered:
.L_overlay_start_1:
0x0: {  	(tag) =	ssettag $0x1  }
0x1: {  	s9 =	rddreg [dreg:$0x0]  }
0x2: {  	s8 =	rddreg [dreg:$0x1]  }
0x3: {  	s5 =	rddreg [dreg:$0x2]  }
0x4: {  	s1 =	rddreg [dreg:$0x3]  }
0x5: {  	s0 =	rddreg [dreg:$0x4];
	s2 =	simm.s32 $0x0  }
0x6: {  	s6 =	srdreg.scid;
	s3 =	stileid.u32;
	s17 =	simm.s32 $0x0  }
0x7: {  	[smem:$0x7FF] =	sst s2;
	s4 =	sadd.s32 $0x2000, s5;
	s10 =	smul.u32 $0x7D000, s3  }
0x8: {  	s7 =	sadd.s32 $0x29200, s5;
	s6 =	sand.u32 $0x1, s6;
	s13 =	smul.u32 $0x3E80, s3  }
0x9: {  	s11 =	sadd.s32 $0x50400, s5;
	s14 =	sadd.s32 $0x77600, s5;
	s16 =	smul.u32 $0x2710, s3  }
0xa: {  	_ =	strace $0x8000004A;
	s12 =	ssub.s32 $0x2, s6;
	s15 =	smul.u32 $0x27100, s6  }
0xb: {  	p0 =	seq.s32 s6, $0x1;
	s28 =	sshrl.u32 s12, $0x1;
	s29 =	sshrl.u32 s10, $0x2  }
0xc: {  	s10 =	smov.u32 s4;
	s11 =	smov.u32 @p0 s14;
	s14 =	simm.s32 $0x50  }
0xd: {  	s5 =	ssub.s32 s12, s28;
	s12 =	sadd.s32 s29, s1;
	s10 =	smov.u32 @p0 s7  }
0xe: {  	s30 =	sadd.s32 s16, s15;
	p0 =	sgt.u32 s3, $0x9;
	s7 =	sadd.s32 s11, s13  }
0xf: {  	s15 =	simm.s32 $0x100;
	s16 =	simm.s32 $0x1;
	s5 =	smax.u32 s5, $0x1  }
0x10: {  	s6 =	sadd.s32 s10, s13;
	s31 =	sshrl.u32 s30, $0x3;
	s11 =	sshll.u32 @!p0 s3, $0x6  }
0x11: {  	s13 =	simm.s32 $0x80;
	s8 =	sadd.s32 s31, s8;
	s9 =	sadd.s32 s31, s9  }
0x12: {  	s10 =	sor.u32 @!p0 $0x1C02, s11;
	s11 =	sshrl.u32 @!p0 s12, $0x3;
	s12 =	simm.s32 $0x2  }
.LBB2_1:
0x13: {  	[spmem:s11], [sflag:s10] =	dma.local @!p0 [hbm:s6], $0x3E80  }
0x14: {  	s18 =	simm.s32 @!p0 $0x2  }
0x15: {  	_ =	swait.ge @!p0 [sflag:s18], $0x3E80  }
0x16: {  	[sflag:s18] =	ssyncset.done @!p0 $0x0  }
0x17: {  	[sflag:s18] =	ssyncadd.s32 @!p0 $0xFFFFC180  }
0x18: {  	s30 =	sadd.s32 $0x0, s9;
	[bflag:$0x0] =	sbarrier.arrive $0xFFFF  }
0x19: {  	[tilespmem:s2], [sflag:$0x2] =	stream.linear.gather [hbm4b:s30+s2], $0x50, $0x38;
	[tilespmem:$0x16180] =	vst v63  }
0x1a: {  	_ =	swait.ge [sflag:s12], $0x50  }
0x1b: {  	[sflag:s12] =	ssyncset.done $0x0  }
0x1c: {  	s31 =	sadd.s32 $0x0, s8;
	[sflag:s12] =	ssyncadd.s32 $0xFFFFFFB0  }
0x1d: {  	[tilespmem:s13], [sflag:$0x2] =	stream.linear.gather [hbm4b:s31+s2], $0x50, $0x38;
	[tilespmem:$0x16180] =	vst v63  }
0x1e: {  	_ =	swait.ge [sflag:s12], $0x50  }
0x1f: {  	[sflag:s12] =	ssyncset.done $0x0  }
0x20: {  	[sflag:s12] =	ssyncadd.s32 $0xFFFFFFB0  }
0x21: {  	[tilespmem:s15], [sflag:$0x1] =	stream.indirect.gather [hbm4b:s4+s14], $0x80, s2, s14, $0xb8;
	[tilespmem:$0x16180] =	vst v63  }
0x22: {  	_ =	swait.ge [sflag:s16], $0x2800  }
0x23: {  	[sflag:s16] =	ssyncset.done $0x0  }
0x24: {  	[sflag:s16] =	ssyncadd.s32 $0xFFFFD800  }
0x25: {  	[spmem:s1] =	stream.indirect.scatter.add.f32 [tilespmem:s15], [sflag:$0x2], $0x80, s13, s14, $0xb8;
	[tilespmem:$0x16180] =	vst v63  }
0x26: {  	_ =	swait.ge [sflag:s12], $0x2800  }
0x27: {  	s19 =	simm.s32 $0x14;
	s18 =	simm.s32 $0xA;
	[sflag:s12] =	ssyncset.done $0x0  }
.LBB2_2:
0x28: {  	s20 =	sadd.s32 s18, s9  }
0x29: {  	[sflag:s12] =	ssyncadd.s32 $0xFFFFD800;
	s21 =	smov.u32 s19;
	s22 =	sadd.s32 $0xA, s19  }
0x2a: {  	[tilespmem:s2], [sflag:$0x2] =	stream.linear.gather [hbm4b:s20+s2], $0x50, $0x38;
	[tilespmem:$0x16180] =	vst v63  }
0x2b: {  	p1 =	sne.s32 s19, $0x4D8;
	_ =	swait.ge [sflag:s12], $0x50  }
0x2c: {  	[sflag:s12] =	ssyncset.done $0x0  }
0x2d: {  	s19 =	sadd.s32 s18, s8;
	s18 =	smov.u32 s21;
	[sflag:s12] =	ssyncadd.s32 $0xFFFFFFB0  }
0x2e: {  	[tilespmem:s13], [sflag:$0x2] =	stream.linear.gather [hbm4b:s19+s2], $0x50, $0x38;
	[tilespmem:$0x16180] =	vst v63  }
0x2f: {  	_ =	swait.ge [sflag:s12], $0x50  }
0x30: {  	[sflag:s12] =	ssyncset.done $0x0  }
0x31: {  	[sflag:s12] =	ssyncadd.s32 $0xFFFFFFB0  }
0x32: {  	[tilespmem:s15], [sflag:$0x1] =	stream.indirect.gather [hbm4b:s4+s14], $0x80, s2, s14, $0xb8;
	[tilespmem:$0x16180] =	vst v63  }
0x33: {  	_ =	swait.ge [sflag:s16], $0x2800  }
.Ltmp0:
0x34: {  	[sflag:s16] =	ssyncset.done $0x0;
	(pc) =	sbr.rel @p1 .LBB2_2-.Ltmp0, $4  }
0x35: {  	[sflag:s16] =	ssyncadd.s32 $0xFFFFD800  }
0x36: {  	[spmem:s1] =	stream.indirect.scatter.add.f32 [tilespmem:s15], [sflag:$0x2], $0x80, s13, s14, $0xb8;
	[tilespmem:$0x16180] =	vst v63  }
0x37: {  	_ =	swait.ge [sflag:s12], $0x2800  }
0x38: {  	s19 =	smov.u32 s22;
	[sflag:s12] =	ssyncset.done $0x0  }
0x39: {  	s19 =	sadd.s32 s18, s9;
	[sflag:s12] =	ssyncadd.s32 $0xFFFFD800  }
0x3a: {  	[tilespmem:s2], [sflag:$0x2] =	stream.linear.gather [hbm4b:s19+s2], $0x50, $0x38;
	[tilespmem:$0x16180] =	vst v63  }
0x3b: {  	_ =	swait.ge [sflag:s12], $0x50  }
0x3c: {  	[sflag:s12] =	ssyncset.done $0x0  }
0x3d: {  	s31 =	sadd.s32 s18, s8;
	[sflag:s12] =	ssyncadd.s32 $0xFFFFFFB0  }
0x3e: {  	[tilespmem:s13], [sflag:$0x2] =	stream.linear.gather [hbm4b:s31+s2], $0x50, $0x38;
	[tilespmem:$0x16180] =	vst v63  }
0x3f: {  	_ =	swait.ge [sflag:s12], $0x50  }
0x40: {  	[sflag:s12] =	ssyncset.done $0x0  }
0x41: {  	[sflag:s12] =	ssyncadd.s32 $0xFFFFFFB0  }
0x42: {  	[tilespmem:s15], [sflag:$0x1] =	stream.indirect.gather [hbm4b:s4+s14], $0x80, s2, s14, $0xb8;
	[tilespmem:$0x16180] =	vst v63  }
0x43: {  	_ =	swait.ge [sflag:s16], $0x2800  }
0x44: {  	[sflag:s16] =	ssyncset.done $0x0  }
0x45: {  	[sflag:s16] =	ssyncadd.s32 $0xFFFFD800  }
0x46: {  	[spmem:s1] =	stream.indirect.scatter.add.f32 [tilespmem:s15], [sflag:$0x2], $0x80, s13, s14, $0xb8;
	[tilespmem:$0x16180] =	vst v63  }
0x47: {  	_ =	swait.ge [sflag:s12], $0x2800  }
0x48: {  	s17 =	sadd.s32 $0x1, s17;
	[sflag:s12] =	ssyncset.done $0x0  }
0x49: {  	p1 =	sne.s32 s17, s5;
	[sflag:s12] =	ssyncadd.s32 $0xFFFFD800  }
.Ltmp1:
0x4a: {  	s18 =	simm.s32 @!p0 $0x2;
	[bflag:$0x0] =	sbarrier.arrive $0xFFFF;
	(pc) =	sbr.rel @p1 .LBB2_1-.Ltmp1, $4  }
0x4b: {  	[hbm:s7], [sflag:s10] =	dma.local @!p0 [spmem:s11], $0x3E80  }
0x4c: {  	_ =	swait.ge @!p0 [sflag:s18], $0x3E80  }
0x4d: {  	[sflag:s18] =	ssyncset.done @!p0 $0x0  }
0x4e: {  	[sflag:s18] =	ssyncadd.s32 @!p0 $0xFFFFC180  }
0x4f: {  	_ =	sfence.sel $0x180000  }
0x50: {  	[bflag:$0x0] =	sbarrier.arrive $0xFFFF  }
0x51: {  	p0 =	sne.s32 s3, $0x0;
	_ =	strace $0x9000004A  }
0x52: {  	s0 =	sadd.s32 @!p0 $0x100000, s0;
	[bflag:$0x2] =	sbarrier.arrive $0xFFFF  }
0x53: {  	[sflag:s0] =	ssyncadd.tile.s32 @!p0 $0x1;
	_ =	shalt  }
.Lfunc_end2:
_tile_overlayer_lowered:
.L_overlay_start_2:
0x54: {  	(tag) =	ssettag $0x2  }
0x55: {  	s0 =	rddreg [dreg:$0x0];
	s2 =	stileid.u32  }
0x56: {  	s1 =	rddreg [dreg:$0x1];
	p0 =	sne.s32 s2, $0x0  }
0x57: {  	s3 =	rddreg [dreg:$0x2];
	[bflag:$0x3] =	sbarrier.arrive $0xFFFF;
	s2 =	simm.s32 @!p0 $0x1C02  }
0x58: {  	[timem:s3], [sflag:s2] =	dma.local @!p0 [hbm:s0], s1  }
0x59: {  	s0 =	simm.s32 @!p0 $0x2  }
0x5a: {  	_ =	swait.ge @!p0 [sflag:s0], s1  }
0x5b: {  	s1 =	ssub.s32 @!p0 $0x0, s1;
	[sflag:s0] =	ssyncset.done @!p0 $0x0  }
0x5c: {  	[sflag:s0] =	ssyncadd.s32 @!p0 s1  }
0x5d: {  	[bflag:$0x3] =	sbarrier.arrive $0xFFFF  }
0x5e: {  	_ =	shalt  }

</sc_bundles>
